<compile_context>
chip_gen: v7x
topology: tpu7x:2x2x1
jax: 0.10.2.dev20260603
libtpu: 0.0.44.dev20260713+nightly
codegen_flags: <defaults>
</compile_context>

<pallas_src>
import functools

import jax
import jax.numpy as jnp
from jax import lax
from jax.experimental import pallas as pl
from jax.experimental.pallas import tpu as pltpu
from jax.experimental.pallas import tpu_sc as plsc

N = 1024
V = 100000
SRC_L = 200
PAD_ID = 0
EPS = 1e-12

RB1 = 128
VB = 16384
BLK = 2048
SUBS = VB // BLK
NRB = N // RB1
NVB = -(-V // VB)
TAIL = V - (NVB - 1) * VB

SC_NC = 2
SC_NS = 16
SC_NW = SC_NC * SC_NS
SC_CHUNK = 128
SC_CPW = 56
SC_GROUP = 7
SC_TOTAL = SC_NW * SC_CPW * SC_CHUNK
NIDX = N * SRC_L + N

BIGI = 2**30


def _stage1_body(x_ref, m_ref, a0_ref):
    vb = pl.program_id(1)

    @pl.when(vb == 0)
    def _init():
        m_ref[0, 0, :] = jnp.full((RB1,), -1.0, jnp.float32)
        a0_ref[0, 0, :] = jnp.zeros((RB1,), jnp.int32)

    iota = lax.broadcasted_iota(jnp.int32, (RB1, BLK), 1)

    def merge(x):
        for sub in range(SUBS):
            xs = x[:, sub * BLK:(sub + 1) * BLK]
            bm = jnp.max(xs, axis=1)
            hit = xs == bm[:, None]
            inner = jnp.min(jnp.where(hit, iota, BIGI), axis=1)
            m_old = m_ref[0, 0, :]
            better = bm > m_old
            m_ref[0, 0, :] = jnp.where(better, bm, m_old)
            a0_ref[0, 0, :] = jnp.where(
                better, (vb * SUBS + sub) * BLK + inner, a0_ref[0, 0, :])

    @pl.when(vb < NVB - 1)
    def _full():
        merge(x_ref[...])

    @pl.when(vb == NVB - 1)
    def _tail():
        col = lax.broadcasted_iota(jnp.int32, (RB1, VB), 1)
        merge(jnp.where(col < TAIL, x_ref[...], -1.0))


def _run_stage1(p_gen):
    return pl.pallas_call(
        _stage1_body,
        grid=(NRB, NVB),
        in_specs=[pl.BlockSpec((RB1, VB), lambda rb, vb: (rb, vb))],
        out_specs=[
            pl.BlockSpec((1, 1, RB1), lambda rb, vb: (rb, 0, 0)),
            pl.BlockSpec((1, 1, RB1), lambda rb, vb: (rb, 0, 0)),
        ],
        out_shape=[
            jax.ShapeDtypeStruct((NRB, 1, RB1), jnp.float32),
            jax.ShapeDtypeStruct((NRB, 1, RB1), jnp.int32),
        ],
        compiler_params=pltpu.CompilerParams(
            dimension_semantics=(pltpu.PARALLEL, pltpu.ARBITRARY)),
    )(p_gen)


def _sc_gather_body(flat_hbm, idx_hbm, out_hbm, idx_v, rows_v, sem):
    wid = lax.axis_index("s") * SC_NC + lax.axis_index("c")
    base = wid * SC_CPW
    pltpu.sync_copy(idx_hbm.at[pl.ds(base, SC_CPW)], idx_v)

    def fire(g, _):
        for j in range(SC_GROUP):
            c = g * SC_GROUP + j
            pltpu.make_async_copy(
                flat_hbm.at[idx_v.at[c]], rows_v.at[c], sem).start()
        return 0

    def drain(g, _):
        for j in range(SC_GROUP):
            c = g * SC_GROUP + j
            pltpu.make_async_copy(
                flat_hbm.at[idx_v.at[c]], rows_v.at[c], sem).wait()
        return 0

    lax.fori_loop(0, SC_CPW // SC_GROUP, fire, 0)
    lax.fori_loop(0, SC_CPW // SC_GROUP, drain, 0)
    pltpu.sync_copy(rows_v, out_hbm.at[pl.ds(base, SC_CPW)])


def _run_sc_gather(flat_pgen, idx2d):
    mesh = plsc.VectorSubcoreMesh(core_axis_name="c", subcore_axis_name="s")
    fn = functools.partial(
        pl.kernel,
        out_type=jax.ShapeDtypeStruct((SC_NW * SC_CPW, SC_CHUNK), jnp.float32),
        mesh=mesh,
        scratch_types=[
            pltpu.VMEM((SC_CPW, SC_CHUNK), jnp.int32),
            pltpu.VMEM((SC_CPW, SC_CHUNK), jnp.float32),
            pltpu.SemaphoreType.DMA,
        ],
    )(_sc_gather_body)
    return fn(flat_pgen, idx2d)


DUP_CH = 40


def _stage4_body(pc_ref, src_ref, pgs_ref, s_ref, tgt_ref, m0_ref, a0_ref,
                 gt_ref, loss_ref, pred_ref, nw_ref, nc_ref):
    step = pl.program_id(0)
    pc = pc_ref[...]
    src = src_ref[...]
    pgs = pgs_ref[...]
    s = s_ref[0, 0, :]
    tgt = tgt_ref[0, 0, :]
    m0 = m0_ref[0, 0, :]
    a0 = a0_ref[0, 0, :]
    g_t = gt_ref[0, 0, :]

    acc = jnp.zeros((RB1, SRC_L), jnp.float32)
    for c in range(SRC_L // DUP_CH):
        srcc = src[:, c * DUP_CH:(c + 1) * DUP_CH]
        pcc = pc[:, c * DUP_CH:(c + 1) * DUP_CH]
        eq = srcc[:, :, None] == src[:, None, :]
        acc = acc + jnp.sum(jnp.where(eq, pcc[:, :, None], 0.0), axis=1)

    one_m_s = 1.0 - s
    adj = one_m_s[:, None] * pgs + s[:, None] * acc
    base = one_m_s * m0

    adjmax = jnp.max(adj, axis=1)
    eqa = adj == adjmax[:, None]
    adjidx = jnp.min(jnp.where(eqa, src, BIGI), axis=1)
    pred = jnp.where(
        adjmax > base, adjidx,
        jnp.where(adjmax == base, jnp.minimum(adjidx, a0), a0))
    pred_ref[0, 0, :] = pred

    copy_t = jnp.sum(jnp.where(src == tgt[:, None], pc, 0.0), axis=1)
    tscore = one_m_s * g_t + s * copy_t
    nonpad = tgt != PAD_ID
    nonpad_f = nonpad.astype(jnp.float32)
    loss_part = jnp.sum(jnp.log(tscore + EPS) * nonpad_f) * (-1.0 / N)
    nw_part = jnp.sum(nonpad.astype(jnp.int32))
    nc_part = jnp.sum(jnp.logical_and(pred == tgt, nonpad).astype(jnp.int32))

    @pl.when(step == 0)
    def _init():
        loss_ref[0, 0] = 0.0
        nw_ref[0, 0] = 0
        nc_ref[0, 0] = 0

    loss_ref[0, 0] += loss_part
    nw_ref[0, 0] += nw_part
    nc_ref[0, 0] += nc_part


def _run_stage4(p_copy, src, pg_src, s3d, tgt3d, m03d, a03d, gt3d):
    return pl.pallas_call(
        _stage4_body,
        grid=(NRB,),
        in_specs=[
            pl.BlockSpec((RB1, SRC_L), lambda i: (i, 0)),
            pl.BlockSpec((RB1, SRC_L), lambda i: (i, 0)),
            pl.BlockSpec((RB1, SRC_L), lambda i: (i, 0)),
            pl.BlockSpec((1, 1, RB1), lambda i: (i, 0, 0)),
            pl.BlockSpec((1, 1, RB1), lambda i: (i, 0, 0)),
            pl.BlockSpec((1, 1, RB1), lambda i: (i, 0, 0)),
            pl.BlockSpec((1, 1, RB1), lambda i: (i, 0, 0)),
            pl.BlockSpec((1, 1, RB1), lambda i: (i, 0, 0)),
        ],
        out_specs=[
            pl.BlockSpec(memory_space=pltpu.SMEM, block_shape=(1, 1),
                         index_map=lambda i: (0, 0)),
            pl.BlockSpec((1, 1, RB1), lambda i: (i, 0, 0)),
            pl.BlockSpec(memory_space=pltpu.SMEM, block_shape=(1, 1),
                         index_map=lambda i: (0, 0)),
            pl.BlockSpec(memory_space=pltpu.SMEM, block_shape=(1, 1),
                         index_map=lambda i: (0, 0)),
        ],
        out_shape=[
            jax.ShapeDtypeStruct((1, 1), jnp.float32),
            jax.ShapeDtypeStruct((NRB, 1, RB1), jnp.int32),
            jax.ShapeDtypeStruct((1, 1), jnp.int32),
            jax.ShapeDtypeStruct((1, 1), jnp.int32),
        ],
    )(p_copy, src, pg_src, s3d, tgt3d, m03d, a03d, gt3d)


def kernel(p_gen, p_copy, p_switch, tgt, src):
    tgt = tgt.astype(jnp.int32)
    src = src.astype(jnp.int32)

    m03d, a03d = _run_stage1(p_gen)

    rows = jnp.arange(N, dtype=jnp.int32) * V
    flat_idx = jnp.concatenate([
        (rows[:, None] + src).reshape(-1),
        rows + tgt,
        jnp.zeros((SC_TOTAL - NIDX,), jnp.int32),
    ])
    flat_pgen = p_gen.reshape(-1)
    gathered = _run_sc_gather(
        flat_pgen, flat_idx.reshape(SC_NW * SC_CPW, SC_CHUNK))
    gflat = gathered.reshape(-1)
    pg_src = gflat[:N * SRC_L].reshape(N, SRC_L)
    g_t = gflat[N * SRC_L:NIDX]

    loss2d, pred3d, nw2d, nc2d = _run_stage4(
        p_copy, src, pg_src,
        p_switch.reshape(NRB, 1, RB1), tgt.reshape(NRB, 1, RB1),
        m03d, a03d, g_t.reshape(NRB, 1, RB1))

    return (loss2d[0, 0], pred3d.reshape(N), nw2d[0, 0], nc2d[0, 0])

# --- scband reference (transcript-rebuilt; emitter-appended) ---
"""Pipeline reference for scband-mlcriterion-47090021433792 (READ-ONLY COPY).

The authoritative reference and input builder live on the scoring server;
editing this copy changes nothing except your own understanding.
"""

import jax, jax.numpy as jnp
import numpy as np

N = 1024
VOCAB = 100000
SRC_L = 200
PAD_ID = 0

def setup_inputs(seed: int = 0) -> dict:
    key = jax.random.key(seed)
    k1, k2, k3, k4, k5 = jax.random.split(key, 5)
    p_gen = jax.random.uniform(k1, (N, VOCAB), dtype=jnp.float32)
    p_copy = jax.random.uniform(k2, (N, SRC_L), dtype=jnp.float32)
    p_switch = jax.random.uniform(k3, (N,), dtype=jnp.float32)
    tgt = jax.random.randint(k4, (N,), 0, VOCAB)
    src = jax.random.randint(k5, (N, SRC_L), 0, VOCAB)
    return {"p_gen": p_gen, "p_copy": p_copy, "p_switch": p_switch, "tgt": tgt, "src": src}

def reference(p_gen, p_copy, p_switch, tgt, src):
    n, vocab_size = p_gen.shape
    # scores(): pointer-generator mixture
    gen_scores = p_gen * (1.0 - p_switch[:, None])
    # c_vocab_size = max(src.max(), vocab_size); src values < vocab_size by construction
    c_vocab_size = vocab_size
    copy_scores = jnp.zeros((n, c_vocab_size), dtype=p_gen.dtype)
    rows = jnp.arange(n)[:, None]
    copy_scores = copy_scores.at[rows, src].add(p_copy)  # scatter_add_ along dim 1
    copy_scores = copy_scores.at[:, :vocab_size].multiply(p_switch[:, None])
    scores = copy_scores.at[:, :vocab_size].add(gen_scores)
    # forward(): ML loss
    pred = jnp.argmax(scores, axis=1)
    eps = 1e-12
    non_padding = (tgt != PAD_ID)
    target_scores = jnp.take_along_axis(scores, tgt[:, None], axis=1)
    loss = jnp.log(target_scores + eps) * non_padding[:, None].astype(scores.dtype)
    loss = -loss.sum() / n
    n_words = non_padding.sum()
    n_correct = jnp.logical_and(pred == tgt, non_padding).sum()
    return (loss, pred, n_words, n_correct)

if __name__ == "__main__":
    import jax
    _d = setup_inputs()
    print(jax.jit(kernel)(*tuple(_d.values())))

</pallas_src>

<mosaic_0001>
#map = affine_map<(d0, d1) -> (0)>
#map1 = affine_map<(d0, d1) -> (0, 0)>
module attributes {stable_mosaic.version = 14 : i64} {
  func.func @_sc_gather_body(%arg0: i32, %arg1: i32, %arg2: memref<102400000xf32, #tpu.memory_space<hbm>>, %arg3: memref<1792x128xi32, #tpu.memory_space<hbm>>, %arg4: memref<1792x128xf32, #tpu.memory_space<hbm>>, %arg5: memref<56x128xi32, #tpu.memory_space<vmem>>, %arg6: memref<56x128xf32, #tpu.memory_space<vmem>>, %arg7: memref<!tpu.dma_semaphore, #tpu.memory_space<semaphore_mem>>) attributes {dimension_semantics = [#tpu.dimension_semantics<core_parallel>, #tpu.dimension_semantics<subcore_parallel>], iteration_bounds = array<i64: 2, 16>, scalar_prefetch = 0 : i64, scratch_operands = 3 : i64, tpu.core_type = #tpu.core_type<sc_vector_subcore>, window_params = [{transform_indices = #map}, {transform_indices = #map1}, {transform_indices = #map1}]} {
    %mul3A = arith.constant 2 : i32
    %mul3A_0 = arith.muli %arg1, %mul3A : i32
    %add3A = arith.addi %mul3A_0, %arg0 : i32
    %mul3A_1 = arith.constant 56 : i32
    %mul3A_2 = arith.muli %add3A, %mul3A_1 : i32
    "tpu.region"() ({
      %run_scoped3A = tpu.sem_alloc : memref<!tpu.dma_semaphore, #tpu.memory_space<semaphore_mem>>
      %dma_start3A = arith.constant 0 : i32
      %dma_start3A_16 = tpu.memref_slice %arg3[%mul3A_2, %dma_start3A] : memref<1792x128xi32, #tpu.memory_space<hbm>> -> memref<56x128xi32, #tpu.memory_space<hbm>>
      %dma_start3A_17 = arith.constant 0 : i32
      %dma_start3A_18 = tpu.memref_slice %arg3[%mul3A_2, %dma_start3A_17] : memref<1792x128xi32, #tpu.memory_space<hbm>> -> memref<56x128xi32, #tpu.memory_space<hbm>>
      tpu.enqueue_dma source(%dma_start3A_18 : memref<56x128xi32, #tpu.memory_space<hbm>>) target(%arg5 : memref<56x128xi32, #tpu.memory_space<vmem>>) target_semaphore(%run_scoped3A : memref<!tpu.dma_semaphore, #tpu.memory_space<semaphore_mem>>)
      %dma_wait3A = arith.constant 0 : i32
      %dma_wait3A_19 = tpu.memref_slice %arg3[%mul3A_2, %dma_wait3A] : memref<1792x128xi32, #tpu.memory_space<hbm>> -> memref<56x128xi32, #tpu.memory_space<hbm>>
      %dma_wait3A_20 = arith.constant 0 : i32
      %dma_wait3A_21 = tpu.memref_slice %arg3[%mul3A_2, %dma_wait3A_20] : memref<1792x128xi32, #tpu.memory_space<hbm>> -> memref<56x128xi32, #tpu.memory_space<hbm>>
      tpu.wait_dma2 semaphore(%run_scoped3A : memref<!tpu.dma_semaphore, #tpu.memory_space<semaphore_mem>>) src(%dma_wait3A_21 : memref<56x128xi32, #tpu.memory_space<hbm>>) dst(%arg5 : memref<56x128xi32, #tpu.memory_space<vmem>>)
      tpu.yield
    }) : () -> ()
    %scan3A = arith.constant 0 : i32
    %scan3A_3 = arith.constant 0 : i32
    %scan3A_4 = arith.constant 8 : i32
    %scan3A_5 = arith.addi %scan3A_3, %scan3A_4 : i32
    %scan3A_6 = arith.constant 1 : i32
    %scan3A_7 = scf.for %scan3A_16 = %scan3A_3 to %scan3A_5 step %scan3A_6 iter_args(%scan3A_17 = %scan3A) -> (i32)  : i32 {
      %mul3A_18 = arith.constant 7 : i32
      %mul3A_19 = arith.muli %scan3A_16, %mul3A_18 : i32
      %add3A_20 = arith.constant 0 : i32
      %add3A_21 = arith.addi %mul3A_19, %add3A_20 : i32
      %dma_start3A = arith.constant 0 : i32
      %dma_start3A_22 = tpu.memref_slice %arg6[%add3A_21, %dma_start3A] : memref<56x128xf32, #tpu.memory_space<vmem>> -> memref<1x128xf32, #tpu.memory_space<vmem>>
      %dma_start3A_23 = tpu.memref_squeeze %dma_start3A_22 : memref<1x128xf32, #tpu.memory_space<vmem>> -> memref<128xf32, #tpu.memory_space<vmem>>
      %dma_start3A_24 = arith.constant 0 : i32
      %dma_start3A_25 = tpu.memref_slice %arg5[%add3A_21, %dma_start3A_24] : memref<56x128xi32, #tpu.memory_space<vmem>> -> memref<1x128xi32, #tpu.memory_space<vmem>>
      %dma_start3A_26 = tpu.memref_squeeze %dma_start3A_25 : memref<1x128xi32, #tpu.memory_space<vmem>> -> memref<128xi32, #tpu.memory_space<vmem>>
      %dma_start3A_27 = arith.constant 0 : i32
      %dma_start3A_28 = tpu.memref_slice %arg2[%dma_start3A_27] : memref<102400000xf32, #tpu.memory_space<hbm>> -> memref<102400000xf32, #tpu.memory_space<hbm>>
      tpu.enqueue_indirect_dma source(%dma_start3A_28 : memref<102400000xf32, #tpu.memory_space<hbm>>) target(%dma_start3A_23 : memref<128xf32, #tpu.memory_space<vmem>>) offsets(%dma_start3A_26 : memref<128xi32, #tpu.memory_space<vmem>>) semaphore(%arg7 : memref<!tpu.dma_semaphore, #tpu.memory_space<semaphore_mem>>)
      %mul3A_29 = arith.constant 7 : i32
      %mul3A_30 = arith.muli %scan3A_16, %mul3A_29 : i32
      %add3A_31 = arith.constant 1 : i32
      %add3A_32 = arith.addi %mul3A_30, %add3A_31 : i32
      %dma_start3A_33 = arith.constant 0 : i32
      %dma_start3A_34 = tpu.memref_slice %arg6[%add3A_32, %dma_start3A_33] : memref<56x128xf32, #tpu.memory_space<vmem>> -> memref<1x128xf32, #tpu.memory_space<vmem>>
      %dma_start3A_35 = tpu.memref_squeeze %dma_start3A_34 : memref<1x128xf32, #tpu.memory_space<vmem>> -> memref<128xf32, #tpu.memory_space<vmem>>
      %dma_start3A_36 = arith.constant 0 : i32
      %dma_start3A_37 = tpu.memref_slice %arg5[%add3A_32, %dma_start3A_36] : memref<56x128xi32, #tpu.memory_space<vmem>> -> memref<1x128xi32, #tpu.memory_space<vmem>>
      %dma_start3A_38 = tpu.memref_squeeze %dma_start3A_37 : memref<1x128xi32, #tpu.memory_space<vmem>> -> memref<128xi32, #tpu.memory_space<vmem>>
      %dma_start3A_39 = arith.constant 0 : i32
      %dma_start3A_40 = tpu.memref_slice %arg2[%dma_start3A_39] : memref<102400000xf32, #tpu.memory_space<hbm>> -> memref<102400000xf32, #tpu.memory_space<hbm>>
      tpu.enqueue_indirect_dma source(%dma_start3A_40 : memref<102400000xf32, #tpu.memory_space<hbm>>) target(%dma_start3A_35 : memref<128xf32, #tpu.memory_space<vmem>>) offsets(%dma_start3A_38 : memref<128xi32, #tpu.memory_space<vmem>>) semaphore(%arg7 : memref<!tpu.dma_semaphore, #tpu.memory_space<semaphore_mem>>)
      %mul3A_41 = arith.constant 7 : i32
      %mul3A_42 = arith.muli %scan3A_16, %mul3A_41 : i32
      %add3A_43 = arith.constant 2 : i32
      %add3A_44 = arith.addi %mul3A_42, %add3A_43 : i32
      %dma_start3A_45 = arith.constant 0 : i32
      %dma_start3A_46 = tpu.memref_slice %arg6[%add3A_44, %dma_start3A_45] : memref<56x128xf32, #tpu.memory_space<vmem>> -> memref<1x128xf32, #tpu.memory_space<vmem>>
      %dma_start3A_47 = tpu.memref_squeeze %dma_start3A_46 : memref<1x128xf32, #tpu.memory_space<vmem>> -> memref<128xf32, #tpu.memory_space<vmem>>
      %dma_start3A_48 = arith.constant 0 : i32
      %dma_start3A_49 = tpu.memref_slice %arg5[%add3A_44, %dma_start3A_48] : memref<56x128xi32, #tpu.memory_space<vmem>> -> memref<1x128xi32, #tpu.memory_space<vmem>>
      %dma_start3A_50 = tpu.memref_squeeze %dma_start3A_49 : memref<1x128xi32, #tpu.memory_space<vmem>> -> memref<128xi32, #tpu.memory_space<vmem>>
      %dma_start3A_51 = arith.constant 0 : i32
      %dma_start3A_52 = tpu.memref_slice %arg2[%dma_start3A_51] : memref<102400000xf32, #tpu.memory_space<hbm>> -> memref<102400000xf32, #tpu.memory_space<hbm>>
      tpu.enqueue_indirect_dma source(%dma_start3A_52 : memref<102400000xf32, #tpu.memory_space<hbm>>) target(%dma_start3A_47 : memref<128xf32, #tpu.memory_space<vmem>>) offsets(%dma_start3A_50 : memref<128xi32, #tpu.memory_space<vmem>>) semaphore(%arg7 : memref<!tpu.dma_semaphore, #tpu.memory_space<semaphore_mem>>)
      %mul3A_53 = arith.constant 7 : i32
      %mul3A_54 = arith.muli %scan3A_16, %mul3A_53 : i32
      %add3A_55 = arith.constant 3 : i32
      %add3A_56 = arith.addi %mul3A_54, %add3A_55 : i32
      %dma_start3A_57 = arith.constant 0 : i32
      %dma_start3A_58 = tpu.memref_slice %arg6[%add3A_56, %dma_start3A_57] : memref<56x128xf32, #tpu.memory_space<vmem>> -> memref<1x128xf32, #tpu.memory_space<vmem>>
      %dma_start3A_59 = tpu.memref_squeeze %dma_start3A_58 : memref<1x128xf32, #tpu.memory_space<vmem>> -> memref<128xf32, #tpu.memory_space<vmem>>
      %dma_start3A_60 = arith.constant 0 : i32
      %dma_start3A_61 = tpu.memref_slice %arg5[%add3A_56, %dma_start3A_60] : memref<56x128xi32, #tpu.memory_space<vmem>> -> memref<1x128xi32, #tpu.memory_space<vmem>>
      %dma_start3A_62 = tpu.memref_squeeze %dma_start3A_61 : memref<1x128xi32, #tpu.memory_space<vmem>> -> memref<128xi32, #tpu.memory_space<vmem>>
      %dma_start3A_63 = arith.constant 0 : i32
      %dma_start3A_64 = tpu.memref_slice %arg2[%dma_start3A_63] : memref<102400000xf32, #tpu.memory_space<hbm>> -> memref<102400000xf32, #tpu.memory_space<hbm>>
      tpu.enqueue_indirect_dma source(%dma_start3A_64 : memref<102400000xf32, #tpu.memory_space<hbm>>) target(%dma_start3A_59 : memref<128xf32, #tpu.memory_space<vmem>>) offsets(%dma_start3A_62 : memref<128xi32, #tpu.memory_space<vmem>>) semaphore(%arg7 : memref<!tpu.dma_semaphore, #tpu.memory_space<semaphore_mem>>)
      %mul3A_65 = arith.constant 7 : i32
      %mul3A_66 = arith.muli %scan3A_16, %mul3A_65 : i32
      %add3A_67 = arith.constant 4 : i32
      %add3A_68 = arith.addi %mul3A_66, %add3A_67 : i32
      %dma_start3A_69 = arith.constant 0 : i32
      %dma_start3A_70 = tpu.memref_slice %arg6[%add3A_68, %dma_start3A_69] : memref<56x128xf32, #tpu.memory_space<vmem>> -> memref<1x128xf32, #tpu.memory_space<vmem>>
      %dma_start3A_71 = tpu.memref_squeeze %dma_start3A_70 : memref<1x128xf32, #tpu.memory_space<vmem>> -> memref<128xf32, #tpu.memory_space<vmem>>
      %dma_start3A_72 = arith.constant 0 : i32
      %dma_start3A_73 = tpu.memref_slice %arg5[%add3A_68, %dma_start3A_72] : memref<56x128xi32, #tpu.memory_space<vmem>> -> memref<1x128xi32, #tpu.memory_space<vmem>>
      %dma_start3A_74 = tpu.memref_squeeze %dma_start3A_73 : memref<1x128xi32, #tpu.memory_space<vmem>> -> memref<128xi32, #tpu.memory_space<vmem>>
      %dma_start3A_75 = arith.constant 0 : i32
      %dma_start3A_76 = tpu.memref_slice %arg2[%dma_start3A_75] : memref<102400000xf32, #tpu.memory_space<hbm>> -> memref<102400000xf32, #tpu.memory_space<hbm>>
      tpu.enqueue_indirect_dma source(%dma_start3A_76 : memref<102400000xf32, #tpu.memory_space<hbm>>) target(%dma_start3A_71 : memref<128xf32, #tpu.memory_space<vmem>>) offsets(%dma_start3A_74 : memref<128xi32, #tpu.memory_space<vmem>>) semaphore(%arg7 : memref<!tpu.dma_semaphore, #tpu.memory_space<semaphore_mem>>)
      %mul3A_77 = arith.constant 7 : i32
      %mul3A_78 = arith.muli %scan3A_16, %mul3A_77 : i32
      %add3A_79 = arith.constant 5 : i32
      %add3A_80 = arith.addi %mul3A_78, %add3A_79 : i32
      %dma_start3A_81 = arith.constant 0 : i32
      %dma_start3A_82 = tpu.memref_slice %arg6[%add3A_80, %dma_start3A_81] : memref<56x128xf32, #tpu.memory_space<vmem>> -> memref<1x128xf32, #tpu.memory_space<vmem>>
      %dma_start3A_83 = tpu.memref_squeeze %dma_start3A_82 : memref<1x128xf32, #tpu.memory_space<vmem>> -> memref<128xf32, #tpu.memory_space<vmem>>
      %dma_start3A_84 = arith.constant 0 : i32
      %dma_start3A_85 = tpu.memref_slice %arg5[%add3A_80, %dma_start3A_84] : memref<56x128xi32, #tpu.memory_space<vmem>> -> memref<1x128xi32, #tpu.memory_space<vmem>>
      %dma_start3A_86 = tpu.memref_squeeze %dma_start3A_85 : memref<1x128xi32, #tpu.memory_space<vmem>> -> memref<128xi32, #tpu.memory_space<vmem>>
      %dma_start3A_87 = arith.constant 0 : i32
      %dma_start3A_88 = tpu.memref_slice %arg2[%dma_start3A_87] : memref<102400000xf32, #tpu.memory_space<hbm>> -> memref<102400000xf32, #tpu.memory_space<hbm>>
      tpu.enqueue_indirect_dma source(%dma_start3A_88 : memref<102400000xf32, #tpu.memory_space<hbm>>) target(%dma_start3A_83 : memref<128xf32, #tpu.memory_space<vmem>>) offsets(%dma_start3A_86 : memref<128xi32, #tpu.memory_space<vmem>>) semaphore(%arg7 : memref<!tpu.dma_semaphore, #tpu.memory_space<semaphore_mem>>)
      %mul3A_89 = arith.constant 7 : i32
      %mul3A_90 = arith.muli %scan3A_16, %mul3A_89 : i32
      %add3A_91 = arith.constant 6 : i32
      %add3A_92 = arith.addi %mul3A_90, %add3A_91 : i32
      %dma_start3A_93 = arith.constant 0 : i32
      %dma_start3A_94 = tpu.memref_slice %arg6[%add3A_92, %dma_start3A_93] : memref<56x128xf32, #tpu.memory_space<vmem>> -> memref<1x128xf32, #tpu.memory_space<vmem>>
      %dma_start3A_95 = tpu.memref_squeeze %dma_start3A_94 : memref<1x128xf32, #tpu.memory_space<vmem>> -> memref<128xf32, #tpu.memory_space<vmem>>
      %dma_start3A_96 = arith.constant 0 : i32
      %dma_start3A_97 = tpu.memref_slice %arg5[%add3A_92, %dma_start3A_96] : memref<56x128xi32, #tpu.memory_space<vmem>> -> memref<1x128xi32, #tpu.memory_space<vmem>>
      %dma_start3A_98 = tpu.memref_squeeze %dma_start3A_97 : memref<1x128xi32, #tpu.memory_space<vmem>> -> memref<128xi32, #tpu.memory_space<vmem>>
      %dma_start3A_99 = arith.constant 0 : i32
      %dma_start3A_100 = tpu.memref_slice %arg2[%dma_start3A_99] : memref<102400000xf32, #tpu.memory_space<hbm>> -> memref<102400000xf32, #tpu.memory_space<hbm>>
      tpu.enqueue_indirect_dma source(%dma_start3A_100 : memref<102400000xf32, #tpu.memory_space<hbm>>) target(%dma_start3A_95 : memref<128xf32, #tpu.memory_space<vmem>>) offsets(%dma_start3A_98 : memref<128xi32, #tpu.memory_space<vmem>>) semaphore(%arg7 : memref<!tpu.dma_semaphore, #tpu.memory_space<semaphore_mem>>)
      %scan3A_101 = arith.constant 0 : i32
      scf.yield %scan3A_101 : i32
    }
    %scan3A_8 = arith.constant 8 : i32
    %scan3A_9 = arith.constant 0 : i32
    %scan3A_10 = arith.constant 0 : i32
    %scan3A_11 = arith.constant 8 : i32
    %scan3A_12 = arith.addi %scan3A_10, %scan3A_11 : i32
    %scan3A_13 = arith.constant 1 : i32
    %scan3A_14 = scf.for %scan3A_16 = %scan3A_10 to %scan3A_12 step %scan3A_13 iter_args(%scan3A_17 = %scan3A_9) -> (i32)  : i32 {
      %mul3A_18 = arith.constant 7 : i32
      %mul3A_19 = arith.muli %scan3A_16, %mul3A_18 : i32
      %add3A_20 = arith.constant 0 : i32
      %add3A_21 = arith.addi %mul3A_19, %add3A_20 : i32
      %dma_wait3A = arith.constant 0 : i32
      %dma_wait3A_22 = tpu.memref_slice %arg6[%add3A_21, %dma_wait3A] : memref<56x128xf32, #tpu.memory_space<vmem>> -> memref<1x128xf32, #tpu.memory_space<vmem>>
      %dma_wait3A_23 = tpu.memref_squeeze %dma_wait3A_22 : memref<1x128xf32, #tpu.memory_space<vmem>> -> memref<128xf32, #tpu.memory_space<vmem>>
      %dma_wait3A_24 = arith.constant 0 : i32
      %dma_wait3A_25 = tpu.memref_slice %arg5[%add3A_21, %dma_wait3A_24] : memref<56x128xi32, #tpu.memory_space<vmem>> -> memref<1x128xi32, #tpu.memory_space<vmem>>
      %dma_wait3A_26 = tpu.memref_squeeze %dma_wait3A_25 : memref<1x128xi32, #tpu.memory_space<vmem>> -> memref<128xi32, #tpu.memory_space<vmem>>
      %dma_wait3A_27 = arith.constant 0 : i32
      %dma_wait3A_28 = tpu.memref_slice %arg2[%dma_wait3A_27] : memref<102400000xf32, #tpu.memory_space<hbm>> -> memref<102400000xf32, #tpu.memory_space<hbm>>
      tpu.wait_indirect_dma semaphore(%arg7 : memref<!tpu.dma_semaphore, #tpu.memory_space<semaphore_mem>>) src(%dma_wait3A_28 : memref<102400000xf32, #tpu.memory_space<hbm>>) dst(%dma_wait3A_23 : memref<128xf32, #tpu.memory_space<vmem>>)
      %mul3A_29 = arith.constant 7 : i32
      %mul3A_30 = arith.muli %scan3A_16, %mul3A_29 : i32
      %add3A_31 = arith.constant 1 : i32
      %add3A_32 = arith.addi %mul3A_30, %add3A_31 : i32
      %dma_wait3A_33 = arith.constant 0 : i32
      %dma_wait3A_34 = tpu.memref_slice %arg6[%add3A_32, %dma_wait3A_33] : memref<56x128xf32, #tpu.memory_space<vmem>> -> memref<1x128xf32, #tpu.memory_space<vmem>>
      %dma_wait3A_35 = tpu.memref_squeeze %dma_wait3A_34 : memref<1x128xf32, #tpu.memory_space<vmem>> -> memref<128xf32, #tpu.memory_space<vmem>>
      %dma_wait3A_36 = arith.constant 0 : i32
      %dma_wait3A_37 = tpu.memref_slice %arg5[%add3A_32, %dma_wait3A_36] : memref<56x128xi32, #tpu.memory_space<vmem>> -> memref<1x128xi32, #tpu.memory_space<vmem>>
      %dma_wait3A_38 = tpu.memref_squeeze %dma_wait3A_37 : memref<1x128xi32, #tpu.memory_space<vmem>> -> memref<128xi32, #tpu.memory_space<vmem>>
      %dma_wait3A_39 = arith.constant 0 : i32
      %dma_wait3A_40 = tpu.memref_slice %arg2[%dma_wait3A_39] : memref<102400000xf32, #tpu.memory_space<hbm>> -> memref<102400000xf32, #tpu.memory_space<hbm>>
      tpu.wait_indirect_dma semaphore(%arg7 : memref<!tpu.dma_semaphore, #tpu.memory_space<semaphore_mem>>) src(%dma_wait3A_40 : memref<102400000xf32, #tpu.memory_space<hbm>>) dst(%dma_wait3A_35 : memref<128xf32, #tpu.memory_space<vmem>>)
      %mul3A_41 = arith.constant 7 : i32
      %mul3A_42 = arith.muli %scan3A_16, %mul3A_41 : i32
      %add3A_43 = arith.constant 2 : i32
      %add3A_44 = arith.addi %mul3A_42, %add3A_43 : i32
      %dma_wait3A_45 = arith.constant 0 : i32
      %dma_wait3A_46 = tpu.memref_slice %arg6[%add3A_44, %dma_wait3A_45] : memref<56x128xf32, #tpu.memory_space<vmem>> -> memref<1x128xf32, #tpu.memory_space<vmem>>
      %dma_wait3A_47 = tpu.memref_squeeze %dma_wait3A_46 : memref<1x128xf32, #tpu.memory_space<vmem>> -> memref<128xf32, #tpu.memory_space<vmem>>
      %dma_wait3A_48 = arith.constant 0 : i32
      %dma_wait3A_49 = tpu.memref_slice %arg5[%add3A_44, %dma_wait3A_48] : memref<56x128xi32, #tpu.memory_space<vmem>> -> memref<1x128xi32, #tpu.memory_space<vmem>>
      %dma_wait3A_50 = tpu.memref_squeeze %dma_wait3A_49 : memref<1x128xi32, #tpu.memory_space<vmem>> -> memref<128xi32, #tpu.memory_space<vmem>>
      %dma_wait3A_51 = arith.constant 0 : i32
      %dma_wait3A_52 = tpu.memref_slice %arg2[%dma_wait3A_51] : memref<102400000xf32, #tpu.memory_space<hbm>> -> memref<102400000xf32, #tpu.memory_space<hbm>>
      tpu.wait_indirect_dma semaphore(%arg7 : memref<!tpu.dma_semaphore, #tpu.memory_space<semaphore_mem>>) src(%dma_wait3A_52 : memref<102400000xf32, #tpu.memory_space<hbm>>) dst(%dma_wait3A_47 : memref<128xf32, #tpu.memory_space<vmem>>)
      %mul3A_53 = arith.constant 7 : i32
      %mul3A_54 = arith.muli %scan3A_16, %mul3A_53 : i32
      %add3A_55 = arith.constant 3 : i32
      %add3A_56 = arith.addi %mul3A_54, %add3A_55 : i32
      %dma_wait3A_57 = arith.constant 0 : i32
      %dma_wait3A_58 = tpu.memref_slice %arg6[%add3A_56, %dma_wait3A_57] : memref<56x128xf32, #tpu.memory_space<vmem>> -> memref<1x128xf32, #tpu.memory_space<vmem>>
      %dma_wait3A_59 = tpu.memref_squeeze %dma_wait3A_58 : memref<1x128xf32, #tpu.memory_space<vmem>> -> memref<128xf32, #tpu.memory_space<vmem>>
      %dma_wait3A_60 = arith.constant 0 : i32
      %dma_wait3A_61 = tpu.memref_slice %arg5[%add3A_56, %dma_wait3A_60] : memref<56x128xi32, #tpu.memory_space<vmem>> -> memref<1x128xi32, #tpu.memory_space<vmem>>
      %dma_wait3A_62 = tpu.memref_squeeze %dma_wait3A_61 : memref<1x128xi32, #tpu.memory_space<vmem>> -> memref<128xi32, #tpu.memory_space<vmem>>
      %dma_wait3A_63 = arith.constant 0 : i32
      %dma_wait3A_64 = tpu.memref_slice %arg2[%dma_wait3A_63] : memref<102400000xf32, #tpu.memory_space<hbm>> -> memref<102400000xf32, #tpu.memory_space<hbm>>
      tpu.wait_indirect_dma semaphore(%arg7 : memref<!tpu.dma_semaphore, #tpu.memory_space<semaphore_mem>>) src(%dma_wait3A_64 : memref<102400000xf32, #tpu.memory_space<hbm>>) dst(%dma_wait3A_59 : memref<128xf32, #tpu.memory_space<vmem>>)
      %mul3A_65 = arith.constant 7 : i32
      %mul3A_66 = arith.muli %scan3A_16, %mul3A_65 : i32
      %add3A_67 = arith.constant 4 : i32
      %add3A_68 = arith.addi %mul3A_66, %add3A_67 : i32
      %dma_wait3A_69 = arith.constant 0 : i32
      %dma_wait3A_70 = tpu.memref_slice %arg6[%add3A_68, %dma_wait3A_69] : memref<56x128xf32, #tpu.memory_space<vmem>> -> memref<1x128xf32, #tpu.memory_space<vmem>>
      %dma_wait3A_71 = tpu.memref_squeeze %dma_wait3A_70 : memref<1x128xf32, #tpu.memory_space<vmem>> -> memref<128xf32, #tpu.memory_space<vmem>>
      %dma_wait3A_72 = arith.constant 0 : i32
      %dma_wait3A_73 = tpu.memref_slice %arg5[%add3A_68, %dma_wait3A_72] : memref<56x128xi32, #tpu.memory_space<vmem>> -> memref<1x128xi32, #tpu.memory_space<vmem>>
      %dma_wait3A_74 = tpu.memref_squeeze %dma_wait3A_73 : memref<1x128xi32, #tpu.memory_space<vmem>> -> memref<128xi32, #tpu.memory_space<vmem>>
      %dma_wait3A_75 = arith.constant 0 : i32
      %dma_wait3A_76 = tpu.memref_slice %arg2[%dma_wait3A_75] : memref<102400000xf32, #tpu.memory_space<hbm>> -> memref<102400000xf32, #tpu.memory_space<hbm>>
      tpu.wait_indirect_dma semaphore(%arg7 : memref<!tpu.dma_semaphore, #tpu.memory_space<semaphore_mem>>) src(%dma_wait3A_76 : memref<102400000xf32, #tpu.memory_space<hbm>>) dst(%dma_wait3A_71 : memref<128xf32, #tpu.memory_space<vmem>>)
      %mul3A_77 = arith.constant 7 : i32
      %mul3A_78 = arith.muli %scan3A_16, %mul3A_77 : i32
      %add3A_79 = arith.constant 5 : i32
      %add3A_80 = arith.addi %mul3A_78, %add3A_79 : i32
      %dma_wait3A_81 = arith.constant 0 : i32
      %dma_wait3A_82 = tpu.memref_slice %arg6[%add3A_80, %dma_wait3A_81] : memref<56x128xf32, #tpu.memory_space<vmem>> -> memref<1x128xf32, #tpu.memory_space<vmem>>
      %dma_wait3A_83 = tpu.memref_squeeze %dma_wait3A_82 : memref<1x128xf32, #tpu.memory_space<vmem>> -> memref<128xf32, #tpu.memory_space<vmem>>
      %dma_wait3A_84 = arith.constant 0 : i32
      %dma_wait3A_85 = tpu.memref_slice %arg5[%add3A_80, %dma_wait3A_84] : memref<56x128xi32, #tpu.memory_space<vmem>> -> memref<1x128xi32, #tpu.memory_space<vmem>>
      %dma_wait3A_86 = tpu.memref_squeeze %dma_wait3A_85 : memref<1x128xi32, #tpu.memory_space<vmem>> -> memref<128xi32, #tpu.memory_space<vmem>>
      %dma_wait3A_87 = arith.constant 0 : i32
      %dma_wait3A_88 = tpu.memref_slice %arg2[%dma_wait3A_87] : memref<102400000xf32, #tpu.memory_space<hbm>> -> memref<102400000xf32, #tpu.memory_space<hbm>>
      tpu.wait_indirect_dma semaphore(%arg7 : memref<!tpu.dma_semaphore, #tpu.memory_space<semaphore_mem>>) src(%dma_wait3A_88 : memref<102400000xf32, #tpu.memory_space<hbm>>) dst(%dma_wait3A_83 : memref<128xf32, #tpu.memory_space<vmem>>)
      %mul3A_89 = arith.constant 7 : i32
      %mul3A_90 = arith.muli %scan3A_16, %mul3A_89 : i32
      %add3A_91 = arith.constant 6 : i32
      %add3A_92 = arith.addi %mul3A_90, %add3A_91 : i32
      %dma_wait3A_93 = arith.constant 0 : i32
      %dma_wait3A_94 = tpu.memref_slice %arg6[%add3A_92, %dma_wait3A_93] : memref<56x128xf32, #tpu.memory_space<vmem>> -> memref<1x128xf32, #tpu.memory_space<vmem>>
      %dma_wait3A_95 = tpu.memref_squeeze %dma_wait3A_94 : memref<1x128xf32, #tpu.memory_space<vmem>> -> memref<128xf32, #tpu.memory_space<vmem>>
      %dma_wait3A_96 = arith.constant 0 : i32
      %dma_wait3A_97 = tpu.memref_slice %arg5[%add3A_92, %dma_wait3A_96] : memref<56x128xi32, #tpu.memory_space<vmem>> -> memref<1x128xi32, #tpu.memory_space<vmem>>
      %dma_wait3A_98 = tpu.memref_squeeze %dma_wait3A_97 : memref<1x128xi32, #tpu.memory_space<vmem>> -> memref<128xi32, #tpu.memory_space<vmem>>
      %dma_wait3A_99 = arith.constant 0 : i32
      %dma_wait3A_100 = tpu.memref_slice %arg2[%dma_wait3A_99] : memref<102400000xf32, #tpu.memory_space<hbm>> -> memref<102400000xf32, #tpu.memory_space<hbm>>
      tpu.wait_indirect_dma semaphore(%arg7 : memref<!tpu.dma_semaphore, #tpu.memory_space<semaphore_mem>>) src(%dma_wait3A_100 : memref<102400000xf32, #tpu.memory_space<hbm>>) dst(%dma_wait3A_95 : memref<128xf32, #tpu.memory_space<vmem>>)
      %scan3A_101 = arith.constant 0 : i32
      scf.yield %scan3A_101 : i32
    }
    %scan3A_15 = arith.constant 8 : i32
    "tpu.region"() ({
      %run_scoped3A = tpu.sem_alloc : memref<!tpu.dma_semaphore, #tpu.memory_space<semaphore_mem>>
      %dma_start3A = arith.constant 0 : i32
      %dma_start3A_16 = tpu.memref_slice %arg4[%mul3A_2, %dma_start3A] : memref<1792x128xf32, #tpu.memory_space<hbm>> -> memref<56x128xf32, #tpu.memory_space<hbm>>
      %dma_start3A_17 = arith.constant 0 : i32
      %dma_start3A_18 = tpu.memref_slice %arg4[%mul3A_2, %dma_start3A_17] : memref<1792x128xf32, #tpu.memory_space<hbm>> -> memref<56x128xf32, #tpu.memory_space<hbm>>
      tpu.enqueue_dma source(%arg6 : memref<56x128xf32, #tpu.memory_space<vmem>>) target(%dma_start3A_18 : memref<56x128xf32, #tpu.memory_space<hbm>>) target_semaphore(%run_scoped3A : memref<!tpu.dma_semaphore, #tpu.memory_space<semaphore_mem>>)
      %dma_wait3A = arith.constant 0 : i32
      %dma_wait3A_19 = tpu.memref_slice %arg4[%mul3A_2, %dma_wait3A] : memref<1792x128xf32, #tpu.memory_space<hbm>> -> memref<56x128xf32, #tpu.memory_space<hbm>>
      %dma_wait3A_20 = arith.constant 0 : i32
      %dma_wait3A_21 = tpu.memref_slice %arg4[%mul3A_2, %dma_wait3A_20] : memref<1792x128xf32, #tpu.memory_space<hbm>> -> memref<56x128xf32, #tpu.memory_space<hbm>>
      tpu.wait_dma2 semaphore(%run_scoped3A : memref<!tpu.dma_semaphore, #tpu.memory_space<semaphore_mem>>) src(%arg6 : memref<56x128xf32, #tpu.memory_space<vmem>>) dst(%dma_wait3A_21 : memref<56x128xf32, #tpu.memory_space<hbm>>)
      tpu.yield
    }) : () -> ()
    return
  }
}

module attributes {stable_mosaic.version = 14 : i64} {
  func.func @_stage1_body(%arg0: i32, %arg1: i32, %arg2: memref<128x16384xf32, #tpu.memory_space<vmem>>, %arg3: memref<1x1x128xf32, #tpu.memory_space<vmem>>, %arg4: memref<1x1x128xi32, #tpu.memory_space<vmem>>) attributes {dimension_semantics = [#tpu.dimension_semantics<parallel>, #tpu.dimension_semantics<arbitrary>], iteration_bounds = array<i64: 8, 7>, scalar_prefetch = 0 : i64, scratch_operands = 0 : i64, tpu.core_type = #tpu.core_type<tc>, window_params = [{transform_indices = @transform_0, window_bounds = array<i64: 128, 16384>}, {transform_indices = @transform_1, window_bounds = array<i64: 1, 1, 128>}, {transform_indices = @transform_2, window_bounds = array<i64: 1, 1, 128>}]} {
    %eq3A = arith.constant 0 : i32
    %eq3A_0 = arith.cmpi eq, %arg1, %eq3A : i32
    %convert_element_type3A = arith.extui %eq3A_0 : i1 to i32
    %cond3A = arith.constant 0 : i32
    %cond3A_1 = arith.cmpi ne, %convert_element_type3A, %cond3A : i32
    scf.if %cond3A_1 {
      %broadcast_in_dim3A = arith.constant -1.000000e+00 : f32
      %broadcast_in_dim3A_11 = vector.broadcast %broadcast_in_dim3A : f32 to vector<128xf32>
      %swap3A = arith.constant 0 : index
      %swap3A_12 = arith.constant 0 : index
      %swap3A_13 = arith.constant 0 : index
      %swap3A_14 = vector.load %arg3[%swap3A, %swap3A_12, %swap3A_13] : memref<1x1x128xf32, #tpu.memory_space<vmem>>, vector<1x1x128xf32>
      %swap3A_15 = vector.shape_cast %swap3A_14 : vector<1x1x128xf32> to vector<128xf32>
      %swap3A_16 = vector.shape_cast %broadcast_in_dim3A_11 : vector<128xf32> to vector<1x1x128xf32>
      tpu.vector_store %arg3[%swap3A, %swap3A_12, %swap3A_13], %swap3A_16 {strides = array<i32>} : memref<1x1x128xf32, #tpu.memory_space<vmem>>, vector<1x1x128xf32>,
      %broadcast_in_dim3A_17 = arith.constant 0 : i32
      %broadcast_in_dim3A_18 = vector.broadcast %broadcast_in_dim3A_17 : i32 to vector<128xi32>
      %swap3A_19 = arith.constant 0 : index
      %swap3A_20 = arith.constant 0 : index
      %swap3A_21 = arith.constant 0 : index
      %swap3A_22 = vector.load %arg4[%swap3A_19, %swap3A_20, %swap3A_21] : memref<1x1x128xi32, #tpu.memory_space<vmem>>, vector<1x1x128xi32>
      %swap3A_23 = vector.shape_cast %swap3A_22 : vector<1x1x128xi32> to vector<128xi32>
      %swap3A_24 = vector.shape_cast %broadcast_in_dim3A_18 : vector<128xi32> to vector<1x1x128xi32>
      tpu.vector_store %arg4[%swap3A_19, %swap3A_20, %swap3A_21], %swap3A_24 {strides = array<i32>} : memref<1x1x128xi32, #tpu.memory_space<vmem>>, vector<1x1x128xi32>,
    } else {
    }
    %iota3A = tpu.iota {dimensions = array<i32: 1>} : vector<128x2048xi32>
    %lt3A = arith.constant 6 : i32
    %lt3A_2 = arith.cmpi slt, %arg1, %lt3A : i32
    %convert_element_type3A_3 = arith.extui %lt3A_2 : i1 to i32
    %cond3A_4 = arith.constant 0 : i32
    %cond3A_5 = arith.cmpi ne, %convert_element_type3A_3, %cond3A_4 : i32
    scf.if %cond3A_5 {
      %get3A = arith.constant 0 : index
      %get3A_11 = arith.constant 0 : index
      %get3A_12 = vector.load %arg2[%get3A, %get3A_11] : memref<128x16384xf32, #tpu.memory_space<vmem>>, vector<128x16384xf32>
      %slice3A = vector.extract_strided_slice %get3A_12 {offsets = [0, 0], sizes = [128, 2048], strides = [1, 1]} : vector<128x16384xf32> to vector<128x2048xf32>
      %reduce_max3A = arith.constant dense<0xFF800000> : vector<128xf32>
      %reduce_max3A_13 = vector.multi_reduction <maximumf>, %slice3A, %reduce_max3A [1] : vector<128x2048xf32> to vector<128xf32>
      %broadcast_in_dim3A = vector.shape_cast %reduce_max3A_13 : vector<128xf32> to vector<128x1xf32>
      %eq3A_14 = vector.broadcast %broadcast_in_dim3A : vector<128x1xf32> to vector<128x2048xf32>
      %eq3A_15 = arith.cmpf oeq, %slice3A, %eq3A_14 : vector<128x2048xf32>
      %jit3A = arith.constant 1073741824 : i32
      %broadcast_in_dim3A_16 = vector.broadcast %jit3A : i32 to vector<128x2048xi32>
      %select_n3A = arith.select %eq3A_15, %iota3A, %broadcast_in_dim3A_16 : vector<128x2048xi1>, vector<128x2048xi32>
      %reduce_min3A = arith.constant dense<2147483647> : vector<128xi32>
      %reduce_min3A_17 = vector.multi_reduction <minsi>, %select_n3A, %reduce_min3A [1] : vector<128x2048xi32> to vector<128xi32>
      %get3A_18 = arith.constant 0 : index
      %get3A_19 = arith.constant 0 : index
      %get3A_20 = arith.constant 0 : index
      %get3A_21 = vector.load %arg3[%get3A_18, %get3A_19, %get3A_20] : memref<1x1x128xf32, #tpu.memory_space<vmem>>, vector<1x1x128xf32>
      %get3A_22 = vector.shape_cast %get3A_21 : vector<1x1x128xf32> to vector<128xf32>
      %gt3A = arith.cmpf ogt, %reduce_max3A_13, %get3A_22 : vector<128xf32>
      %select_n3A_23 = arith.select %gt3A, %reduce_max3A_13, %get3A_22 : vector<128xi1>, vector<128xf32>
      %swap3A = arith.constant 0 : index
      %swap3A_24 = arith.constant 0 : index
      %swap3A_25 = arith.constant 0 : index
      %swap3A_26 = vector.load %arg3[%swap3A, %swap3A_24, %swap3A_25] : memref<1x1x128xf32, #tpu.memory_space<vmem>>, vector<1x1x128xf32>
      %swap3A_27 = vector.shape_cast %swap3A_26 : vector<1x1x128xf32> to vector<128xf32>
      %swap3A_28 = vector.shape_cast %select_n3A_23 : vector<128xf32> to vector<1x1x128xf32>
      tpu.vector_store %arg3[%swap3A, %swap3A_24, %swap3A_25], %swap3A_28 {strides = array<i32>} : memref<1x1x128xf32, #tpu.memory_space<vmem>>, vector<1x1x128xf32>,
      %mul3A = arith.constant 8 : i32
      %mul3A_29 = arith.muli %arg1, %mul3A : i32
      %add3A = arith.constant 0 : i32
      %add3A_30 = arith.addi %mul3A_29, %add3A : i32
      %mul3A_31 = arith.constant 2048 : i32
      %mul3A_32 = arith.muli %add3A_30, %mul3A_31 : i32
      %add3A_33 = vector.broadcast %mul3A_32 : i32 to vector<128xi32>
      %add3A_34 = arith.addi %add3A_33, %reduce_min3A_17 : vector<128xi32>
      %get3A_35 = arith.constant 0 : index
      %get3A_36 = arith.constant 0 : index
      %get3A_37 = arith.constant 0 : index
      %get3A_38 = vector.load %arg4[%get3A_35, %get3A_36, %get3A_37] : memref<1x1x128xi32, #tpu.memory_space<vmem>>, vector<1x1x128xi32>
      %get3A_39 = vector.shape_cast %get3A_38 : vector<1x1x128xi32> to vector<128xi32>
      %select_n3A_40 = arith.select %gt3A, %add3A_34, %get3A_39 : vector<128xi1>, vector<128xi32>
      %swap3A_41 = arith.constant 0 : index
      %swap3A_42 = arith.constant 0 : index
      %swap3A_43 = arith.constant 0 : index
      %swap3A_44 = vector.load %arg4[%swap3A_41, %swap3A_42, %swap3A_43] : memref<1x1x128xi32, #tpu.memory_space<vmem>>, vector<1x1x128xi32>
      %swap3A_45 = vector.shape_cast %swap3A_44 : vector<1x1x128xi32> to vector<128xi32>
      %swap3A_46 = vector.shape_cast %select_n3A_40 : vector<128xi32> to vector<1x1x128xi32>
      tpu.vector_store %arg4[%swap3A_41, %swap3A_42, %swap3A_43], %swap3A_46 {strides = array<i32>} : memref<1x1x128xi32, #tpu.memory_space<vmem>>, vector<1x1x128xi32>,
      %slice3A_47 = vector.extract_strided_slice %get3A_12 {offsets = [0, 2048], sizes = [128, 2048], strides = [1, 1]} : vector<128x16384xf32> to vector<128x2048xf32>
      %reduce_max3A_48 = arith.constant dense<0xFF800000> : vector<128xf32>
      %reduce_max3A_49 = vector.multi_reduction <maximumf>, %slice3A_47, %reduce_max3A_48 [1] : vector<128x2048xf32> to vector<128xf32>
      %broadcast_in_dim3A_50 = vector.shape_cast %reduce_max3A_49 : vector<128xf32> to vector<128x1xf32>
      %eq3A_51 = vector.broadcast %broadcast_in_dim3A_50 : vector<128x1xf32> to vector<128x2048xf32>
      %eq3A_52 = arith.cmpf oeq, %slice3A_47, %eq3A_51 : vector<128x2048xf32>
      %jit3A_53 = arith.constant 1073741824 : i32
      %broadcast_in_dim3A_54 = vector.broadcast %jit3A_53 : i32 to vector<128x2048xi32>
      %select_n3A_55 = arith.select %eq3A_52, %iota3A, %broadcast_in_dim3A_54 : vector<128x2048xi1>, vector<128x2048xi32>
      %reduce_min3A_56 = arith.constant dense<2147483647> : vector<128xi32>
      %reduce_min3A_57 = vector.multi_reduction <minsi>, %select_n3A_55, %reduce_min3A_56 [1] : vector<128x2048xi32> to vector<128xi32>
      %get3A_58 = arith.constant 0 : index
      %get3A_59 = arith.constant 0 : index
      %get3A_60 = arith.constant 0 : index
      %get3A_61 = vector.load %arg3[%get3A_58, %get3A_59, %get3A_60] : memref<1x1x128xf32, #tpu.memory_space<vmem>>, vector<1x1x128xf32>
      %get3A_62 = vector.shape_cast %get3A_61 : vector<1x1x128xf32> to vector<128xf32>
      %gt3A_63 = arith.cmpf ogt, %reduce_max3A_49, %get3A_62 : vector<128xf32>
      %select_n3A_64 = arith.select %gt3A_63, %reduce_max3A_49, %get3A_62 : vector<128xi1>, vector<128xf32>
      %swap3A_65 = arith.constant 0 : index
      %swap3A_66 = arith.constant 0 : index
      %swap3A_67 = arith.constant 0 : index
      %swap3A_68 = vector.load %arg3[%swap3A_65, %swap3A_66, %swap3A_67] : memref<1x1x128xf32, #tpu.memory_space<vmem>>, vector<1x1x128xf32>
      %swap3A_69 = vector.shape_cast %swap3A_68 : vector<1x1x128xf32> to vector<128xf32>
      %swap3A_70 = vector.shape_cast %select_n3A_64 : vector<128xf32> to vector<1x1x128xf32>
      tpu.vector_store %arg3[%swap3A_65, %swap3A_66, %swap3A_67], %swap3A_70 {strides = array<i32>} : memref<1x1x128xf32, #tpu.memory_space<vmem>>, vector<1x1x128xf32>,
      %mul3A_71 = arith.constant 8 : i32
      %mul3A_72 = arith.muli %arg1, %mul3A_71 : i32
      %add3A_73 = arith.constant 1 : i32
      %add3A_74 = arith.addi %mul3A_72, %add3A_73 : i32
      %mul3A_75 = arith.constant 2048 : i32
      %mul3A_76 = arith.muli %add3A_74, %mul3A_75 : i32
      %add3A_77 = vector.broadcast %mul3A_76 : i32 to vector<128xi32>
      %add3A_78 = arith.addi %add3A_77, %reduce_min3A_57 : vector<128xi32>
      %get3A_79 = arith.constant 0 : index
      %get3A_80 = arith.constant 0 : index
      %get3A_81 = arith.constant 0 : index
      %get3A_82 = vector.load %arg4[%get3A_79, %get3A_80, %get3A_81] : memref<1x1x128xi32, #tpu.memory_space<vmem>>, vector<1x1x128xi32>
      %get3A_83 = vector.shape_cast %get3A_82 : vector<1x1x128xi32> to vector<128xi32>
      %select_n3A_84 = arith.select %gt3A_63, %add3A_78, %get3A_83 : vector<128xi1>, vector<128xi32>
      %swap3A_85 = arith.constant 0 : index
      %swap3A_86 = arith.constant 0 : index
      %swap3A_87 = arith.constant 0 : index
      %swap3A_88 = vector.load %arg4[%swap3A_85, %swap3A_86, %swap3A_87] : memref<1x1x128xi32, #tpu.memory_space<vmem>>, vector<1x1x128xi32>
      %swap3A_89 = vector.shape_cast %swap3A_88 : vector<1x1x128xi32> to vector<128xi32>
      %swap3A_90 = vector.shape_cast %select_n3A_84 : vector<128xi32> to vector<1x1x128xi32>
      tpu.vector_store %arg4[%swap3A_85, %swap3A_86, %swap3A_87], %swap3A_90 {strides = array<i32>} : memref<1x1x128xi32, #tpu.memory_space<vmem>>, vector<1x1x128xi32>,
      %slice3A_91 = vector.extract_strided_slice %get3A_12 {offsets = [0, 4096], sizes = [128, 2048], strides = [1, 1]} : vector<128x16384xf32> to vector<128x2048xf32>
      %reduce_max3A_92 = arith.constant dense<0xFF800000> : vector<128xf32>
      %reduce_max3A_93 = vector.multi_reduction <maximumf>, %slice3A_91, %reduce_max3A_92 [1] : vector<128x2048xf32> to vector<128xf32>
      %broadcast_in_dim3A_94 = vector.shape_cast %reduce_max3A_93 : vector<128xf32> to vector<128x1xf32>
      %eq3A_95 = vector.broadcast %broadcast_in_dim3A_94 : vector<128x1xf32> to vector<128x2048xf32>
      %eq3A_96 = arith.cmpf oeq, %slice3A_91, %eq3A_95 : vector<128x2048xf32>
      %jit3A_97 = arith.constant 1073741824 : i32
      %broadcast_in_dim3A_98 = vector.broadcast %jit3A_97 : i32 to vector<128x2048xi32>
      %select_n3A_99 = arith.select %eq3A_96, %iota3A, %broadcast_in_dim3A_98 : vector<128x2048xi1>, vector<128x2048xi32>
      %reduce_min3A_100 = arith.constant dense<2147483647> : vector<128xi32>
      %reduce_min3A_101 = vector.multi_reduction <minsi>, %select_n3A_99, %reduce_min3A_100 [1] : vector<128x2048xi32> to vector<128xi32>
      %get3A_102 = arith.constant 0 : index
      %get3A_103 = arith.constant 0 : index
      %get3A_104 = arith.constant 0 : index
      %get3A_105 = vector.load %arg3[%get3A_102, %get3A_103, %get3A_104] : memref<1x1x128xf32, #tpu.memory_space<vmem>>, vector<1x1x128xf32>
      %get3A_106 = vector.shape_cast %get3A_105 : vector<1x1x128xf32> to vector<128xf32>
      %gt3A_107 = arith.cmpf ogt, %reduce_max3A_93, %get3A_106 : vector<128xf32>
      %select_n3A_108 = arith.select %gt3A_107, %reduce_max3A_93, %get3A_106 : vector<128xi1>, vector<128xf32>
      %swap3A_109 = arith.constant 0 : index
      %swap3A_110 = arith.constant 0 : index
      %swap3A_111 = arith.constant 0 : index
      %swap3A_112 = vector.load %arg3[%swap3A_109, %swap3A_110, %swap3A_111] : memref<1x1x128xf32, #tpu.memory_space<vmem>>, vector<1x1x128xf32>
      %swap3A_113 = vector.shape_cast %swap3A_112 : vector<1x1x128xf32> to vector<128xf32>
      %swap3A_114 = vector.shape_cast %select_n3A_108 : vector<128xf32> to vector<1x1x128xf32>
      tpu.vector_store %arg3[%swap3A_109, %swap3A_110, %swap3A_111], %swap3A_114 {strides = array<i32>} : memref<1x1x128xf32, #tpu.memory_space<vmem>>, vector<1x1x128xf32>,
      %mul3A_115 = arith.constant 8 : i32
      %mul3A_116 = arith.muli %arg1, %mul3A_115 : i32
      %add3A_117 = arith.constant 2 : i32
      %add3A_118 = arith.addi %mul3A_116, %add3A_117 : i32
      %mul3A_119 = arith.constant 2048 : i32
      %mul3A_120 = arith.muli %add3A_118, %mul3A_119 : i32
      %add3A_121 = vector.broadcast %mul3A_120 : i32 to vector<128xi32>
      %add3A_122 = arith.addi %add3A_121, %reduce_min3A_101 : vector<128xi32>
      %get3A_123 = arith.constant 0 : index
      %get3A_124 = arith.constant 0 : index
      %get3A_125 = arith.constant 0 : index
      %get3A_126 = vector.load %arg4[%get3A_123, %get3A_124, %get3A_125] : memref<1x1x128xi32, #tpu.memory_space<vmem>>, vector<1x1x128xi32>
      %get3A_127 = vector.shape_cast %get3A_126 : vector<1x1x128xi32> to vector<128xi32>
      %select_n3A_128 = arith.select %gt3A_107, %add3A_122, %get3A_127 : vector<128xi1>, vector<128xi32>
      %swap3A_129 = arith.constant 0 : index
      %swap3A_130 = arith.constant 0 : index
      %swap3A_131 = arith.constant 0 : index
      %swap3A_132 = vector.load %arg4[%swap3A_129, %swap3A_130, %swap3A_131] : memref<1x1x128xi32, #tpu.memory_space<vmem>>, vector<1x1x128xi32>
      %swap3A_133 = vector.shape_cast %swap3A_132 : vector<1x1x128xi32> to vector<128xi32>
      %swap3A_134 = vector.shape_cast %select_n3A_128 : vector<128xi32> to vector<1x1x128xi32>
      tpu.vector_store %arg4[%swap3A_129, %swap3A_130, %swap3A_131], %swap3A_134 {strides = array<i32>} : memref<1x1x128xi32, #tpu.memory_space<vmem>>, vector<1x1x128xi32>,
      %slice3A_135 = vector.extract_strided_slice %get3A_12 {offsets = [0, 6144], sizes = [128, 2048], strides = [1, 1]} : vector<128x16384xf32> to vector<128x2048xf32>
      %reduce_max3A_136 = arith.constant dense<0xFF800000> : vector<128xf32>
      %reduce_max3A_137 = vector.multi_reduction <maximumf>, %slice3A_135, %reduce_max3A_136 [1] : vector<128x2048xf32> to vector<128xf32>
      %broadcast_in_dim3A_138 = vector.shape_cast %reduce_max3A_137 : vector<128xf32> to vector<128x1xf32>
      %eq3A_139 = vector.broadcast %broadcast_in_dim3A_138 : vector<128x1xf32> to vector<128x2048xf32>
      %eq3A_140 = arith.cmpf oeq, %slice3A_135, %eq3A_139 : vector<128x2048xf32>
      %jit3A_141 = arith.constant 1073741824 : i32
      %broadcast_in_dim3A_142 = vector.broadcast %jit3A_141 : i32 to vector<128x2048xi32>
      %select_n3A_143 = arith.select %eq3A_140, %iota3A, %broadcast_in_dim3A_142 : vector<128x2048xi1>, vector<128x2048xi32>
      %reduce_min3A_144 = arith.constant dense<2147483647> : vector<128xi32>
      %reduce_min3A_145 = vector.multi_reduction <minsi>, %select_n3A_143, %reduce_min3A_144 [1] : vector<128x2048xi32> to vector<128xi32>
      %get3A_146 = arith.constant 0 : index
      %get3A_147 = arith.constant 0 : index
      %get3A_148 = arith.constant 0 : index
      %get3A_149 = vector.load %arg3[%get3A_146, %get3A_147, %get3A_148] : memref<1x1x128xf32, #tpu.memory_space<vmem>>, vector<1x1x128xf32>
      %get3A_150 = vector.shape_cast %get3A_149 : vector<1x1x128xf32> to vector<128xf32>
      %gt3A_151 = arith.cmpf ogt, %reduce_max3A_137, %get3A_150 : vector<128xf32>
      %select_n3A_152 = arith.select %gt3A_151, %reduce_max3A_137, %get3A_150 : vector<128xi1>, vector<128xf32>
      %swap3A_153 = arith.constant 0 : index
      %swap3A_154 = arith.constant 0 : index
      %swap3A_155 = arith.constant 0 : index
      %swap3A_156 = vector.load %arg3[%swap3A_153, %swap3A_154, %swap3A_155] : memref<1x1x128xf32, #tpu.memory_space<vmem>>, vector<1x1x128xf32>
      %swap3A_157 = vector.shape_cast %swap3A_156 : vector<1x1x128xf32> to vector<128xf32>
      %swap3A_158 = vector.shape_cast %select_n3A_152 : vector<128xf32> to vector<1x1x128xf32>
      tpu.vector_store %arg3[%swap3A_153, %swap3A_154, %swap3A_155], %swap3A_158 {strides = array<i32>} : memref<1x1x128xf32, #tpu.memory_space<vmem>>, vector<1x1x128xf32>,
      %mul3A_159 = arith.constant 8 : i32
      %mul3A_160 = arith.muli %arg1, %mul3A_159 : i32
      %add3A_161 = arith.constant 3 : i32
      %add3A_162 = arith.addi %mul3A_160, %add3A_161 : i32
      %mul3A_163 = arith.constant 2048 : i32
      %mul3A_164 = arith.muli %add3A_162, %mul3A_163 : i32
      %add3A_165 = vector.broadcast %mul3A_164 : i32 to vector<128xi32>
      %add3A_166 = arith.addi %add3A_165, %reduce_min3A_145 : vector<128xi32>
      %get3A_167 = arith.constant 0 : index
      %get3A_168 = arith.constant 0 : index
      %get3A_169 = arith.constant 0 : index
      %get3A_170 = vector.load %arg4[%get3A_167, %get3A_168, %get3A_169] : memref<1x1x128xi32, #tpu.memory_space<vmem>>, vector<1x1x128xi32>
      %get3A_171 = vector.shape_cast %get3A_170 : vector<1x1x128xi32> to vector<128xi32>
      %select_n3A_172 = arith.select %gt3A_151, %add3A_166, %get3A_171 : vector<128xi1>, vector<128xi32>
      %swap3A_173 = arith.constant 0 : index
      %swap3A_174 = arith.constant 0 : index
      %swap3A_175 = arith.constant 0 : index
      %swap3A_176 = vector.load %arg4[%swap3A_173, %swap3A_174, %swap3A_175] : memref<1x1x128xi32, #tpu.memory_space<vmem>>, vector<1x1x128xi32>
      %swap3A_177 = vector.shape_cast %swap3A_176 : vector<1x1x128xi32> to vector<128xi32>
      %swap3A_178 = vector.shape_cast %select_n3A_172 : vector<128xi32> to vector<1x1x128xi32>
      tpu.vector_store %arg4[%swap3A_173, %swap3A_174, %swap3A_175], %swap3A_178 {strides = array<i32>} : memref<1x1x128xi32, #tpu.memory_space<vmem>>, vector<1x1x128xi32>,
      %slice3A_179 = vector.extract_strided_slice %get3A_12 {offsets = [0, 8192], sizes = [128, 2048], strides = [1, 1]} : vector<128x16384xf32> to vector<128x2048xf32>
      %reduce_max3A_180 = arith.constant dense<0xFF800000> : vector<128xf32>
      %reduce_max3A_181 = vector.multi_reduction <maximumf>, %slice3A_179, %reduce_max3A_180 [1] : vector<128x2048xf32> to vector<128xf32>
      %broadcast_in_dim3A_182 = vector.shape_cast %reduce_max3A_181 : vector<128xf32> to vector<128x1xf32>
      %eq3A_183 = vector.broadcast %broadcast_in_dim3A_182 : vector<128x1xf32> to vector<128x2048xf32>
      %eq3A_184 = arith.cmpf oeq, %slice3A_179, %eq3A_183 : vector<128x2048xf32>
      %jit3A_185 = arith.constant 1073741824 : i32
      %broadcast_in_dim3A_186 = vector.broadcast %jit3A_185 : i32 to vector<128x2048xi32>
      %select_n3A_187 = arith.select %eq3A_184, %iota3A, %broadcast_in_dim3A_186 : vector<128x2048xi1>, vector<128x2048xi32>
      %reduce_min3A_188 = arith.constant dense<2147483647> : vector<128xi32>
      %reduce_min3A_189 = vector.multi_reduction <minsi>, %select_n3A_187, %reduce_min3A_188 [1] : vector<128x2048xi32> to vector<128xi32>
      %get3A_190 = arith.constant 0 : index
      %get3A_191 = arith.constant 0 : index
      %get3A_192 = arith.constant 0 : index
      %get3A_193 = vector.load %arg3[%get3A_190, %get3A_191, %get3A_192] : memref<1x1x128xf32, #tpu.memory_space<vmem>>, vector<1x1x128xf32>
      %get3A_194 = vector.shape_cast %get3A_193 : vector<1x1x128xf32> to vector<128xf32>
      %gt3A_195 = arith.cmpf ogt, %reduce_max3A_181, %get3A_194 : vector<128xf32>
      %select_n3A_196 = arith.select %gt3A_195, %reduce_max3A_181, %get3A_194 : vector<128xi1>, vector<128xf32>
      %swap3A_197 = arith.constant 0 : index
      %swap3A_198 = arith.constant 0 : index
      %swap3A_199 = arith.constant 0 : index
      %swap3A_200 = vector.load %arg3[%swap3A_197, %swap3A_198, %swap3A_199] : memref<1x1x128xf32, #tpu.memory_space<vmem>>, vector<1x1x128xf32>
      %swap3A_201 = vector.shape_cast %swap3A_200 : vector<1x1x128xf32> to vector<128xf32>
      %swap3A_202 = vector.shape_cast %select_n3A_196 : vector<128xf32> to vector<1x1x128xf32>
      tpu.vector_store %arg3[%swap3A_197, %swap3A_198, %swap3A_199], %swap3A_202 {strides = array<i32>} : memref<1x1x128xf32, #tpu.memory_space<vmem>>, vector<1x1x128xf32>,
      %mul3A_203 = arith.constant 8 : i32
      %mul3A_204 = arith.muli %arg1, %mul3A_203 : i32
      %add3A_205 = arith.constant 4 : i32
      %add3A_206 = arith.addi %mul3A_204, %add3A_205 : i32
      %mul3A_207 = arith.constant 2048 : i32
      %mul3A_208 = arith.muli %add3A_206, %mul3A_207 : i32
      %add3A_209 = vector.broadcast %mul3A_208 : i32 to vector<128xi32>
      %add3A_210 = arith.addi %add3A_209, %reduce_min3A_189 : vector<128xi32>
      %get3A_211 = arith.constant 0 : index
      %get3A_212 = arith.constant 0 : index
      %get3A_213 = arith.constant 0 : index
      %get3A_214 = vector.load %arg4[%get3A_211, %get3A_212, %get3A_213] : memref<1x1x128xi32, #tpu.memory_space<vmem>>, vector<1x1x128xi32>
      %get3A_215 = vector.shape_cast %get3A_214 : vector<1x1x128xi32> to vector<128xi32>
      %select_n3A_216 = arith.select %gt3A_195, %add3A_210, %get3A_215 : vector<128xi1>, vector<128xi32>
      %swap3A_217 = arith.constant 0 : index
      %swap3A_218 = arith.constant 0 : index
      %swap3A_219 = arith.constant 0 : index
      %swap3A_220 = vector.load %arg4[%swap3A_217, %swap3A_218, %swap3A_219] : memref<1x1x128xi32, #tpu.memory_space<vmem>>, vector<1x1x128xi32>
      %swap3A_221 = vector.shape_cast %swap3A_220 : vector<1x1x128xi32> to vector<128xi32>
      %swap3A_222 = vector.shape_cast %select_n3A_216 : vector<128xi32> to vector<1x1x128xi32>
      tpu.vector_store %arg4[%swap3A_217, %swap3A_218, %swap3A_219], %swap3A_222 {strides = array<i32>} : memref<1x1x128xi32, #tpu.memory_space<vmem>>, vector<1x1x128xi32>,
      %slice3A_223 = vector.extract_strided_slice %get3A_12 {offsets = [0, 10240], sizes = [128, 2048], strides = [1, 1]} : vector<128x16384xf32> to vector<128x2048xf32>
      %reduce_max3A_224 = arith.constant dense<0xFF800000> : vector<128xf32>
      %reduce_max3A_225 = vector.multi_reduction <maximumf>, %slice3A_223, %reduce_max3A_224 [1] : vector<128x2048xf32> to vector<128xf32>
      %broadcast_in_dim3A_226 = vector.shape_cast %reduce_max3A_225 : vector<128xf32> to vector<128x1xf32>
      %eq3A_227 = vector.broadcast %broadcast_in_dim3A_226 : vector<128x1xf32> to vector<128x2048xf32>
      %eq3A_228 = arith.cmpf oeq, %slice3A_223, %eq3A_227 : vector<128x2048xf32>
      %jit3A_229 = arith.constant 1073741824 : i32
      %broadcast_in_dim3A_230 = vector.broadcast %jit3A_229 : i32 to vector<128x2048xi32>
      %select_n3A_231 = arith.select %eq3A_228, %iota3A, %broadcast_in_dim3A_230 : vector<128x2048xi1>, vector<128x2048xi32>
      %reduce_min3A_232 = arith.constant dense<2147483647> : vector<128xi32>
      %reduce_min3A_233 = vector.multi_reduction <minsi>, %select_n3A_231, %reduce_min3A_232 [1] : vector<128x2048xi32> to vector<128xi32>
      %get3A_234 = arith.constant 0 : index
      %get3A_235 = arith.constant 0 : index
      %get3A_236 = arith.constant 0 : index
      %get3A_237 = vector.load %arg3[%get3A_234, %get3A_235, %get3A_236] : memref<1x1x128xf32, #tpu.memory_space<vmem>>, vector<1x1x128xf32>
      %get3A_238 = vector.shape_cast %get3A_237 : vector<1x1x128xf32> to vector<128xf32>
      %gt3A_239 = arith.cmpf ogt, %reduce_max3A_225, %get3A_238 : vector<128xf32>
      %select_n3A_240 = arith.select %gt3A_239, %reduce_max3A_225, %get3A_238 : vector<128xi1>, vector<128xf32>
      %swap3A_241 = arith.constant 0 : index
      %swap3A_242 = arith.constant 0 : index
      %swap3A_243 = arith.constant 0 : index
      %swap3A_244 = vector.load %arg3[%swap3A_241, %swap3A_242, %swap3A_243] : memref<1x1x128xf32, #tpu.memory_space<vmem>>, vector<1x1x128xf32>
      %swap3A_245 = vector.shape_cast %swap3A_244 : vector<1x1x128xf32> to vector<128xf32>
      %swap3A_246 = vector.shape_cast %select_n3A_240 : vector<128xf32> to vector<1x1x128xf32>
      tpu.vector_store %arg3[%swap3A_241, %swap3A_242, %swap3A_243], %swap3A_246 {strides = array<i32>} : memref<1x1x128xf32, #tpu.memory_space<vmem>>, vector<1x1x128xf32>,
      %mul3A_247 = arith.constant 8 : i32
      %mul3A_248 = arith.muli %arg1, %mul3A_247 : i32
      %add3A_249 = arith.constant 5 : i32
      %add3A_250 = arith.addi %mul3A_248, %add3A_249 : i32
      %mul3A_251 = arith.constant 2048 : i32
      %mul3A_252 = arith.muli %add3A_250, %mul3A_251 : i32
      %add3A_253 = vector.broadcast %mul3A_252 : i32 to vector<128xi32>
      %add3A_254 = arith.addi %add3A_253, %reduce_min3A_233 : vector<128xi32>
      %get3A_255 = arith.constant 0 : index
      %get3A_256 = arith.constant 0 : index
      %get3A_257 = arith.constant 0 : index
      %get3A_258 = vector.load %arg4[%get3A_255, %get3A_256, %get3A_257] : memref<1x1x128xi32, #tpu.memory_space<vmem>>, vector<1x1x128xi32>
      %get3A_259 = vector.shape_cast %get3A_258 : vector<1x1x128xi32> to vector<128xi32>
      %select_n3A_260 = arith.select %gt3A_239, %add3A_254, %get3A_259 : vector<128xi1>, vector<128xi32>
      %swap3A_261 = arith.constant 0 : index
      %swap3A_262 = arith.constant 0 : index
      %swap3A_263 = arith.constant 0 : index
      %swap3A_264 = vector.load %arg4[%swap3A_261, %swap3A_262, %swap3A_263] : memref<1x1x128xi32, #tpu.memory_space<vmem>>, vector<1x1x128xi32>
      %swap3A_265 = vector.shape_cast %swap3A_264 : vector<1x1x128xi32> to vector<128xi32>
      %swap3A_266 = vector.shape_cast %select_n3A_260 : vector<128xi32> to vector<1x1x128xi32>
      tpu.vector_store %arg4[%swap3A_261, %swap3A_262, %swap3A_263], %swap3A_266 {strides = array<i32>} : memref<1x1x128xi32, #tpu.memory_space<vmem>>, vector<1x1x128xi32>,
      %slice3A_267 = vector.extract_strided_slice %get3A_12 {offsets = [0, 12288], sizes = [128, 2048], strides = [1, 1]} : vector<128x16384xf32> to vector<128x2048xf32>
      %reduce_max3A_268 = arith.constant dense<0xFF800000> : vector<128xf32>
      %reduce_max3A_269 = vector.multi_reduction <maximumf>, %slice3A_267, %reduce_max3A_268 [1] : vector<128x2048xf32> to vector<128xf32>
      %broadcast_in_dim3A_270 = vector.shape_cast %reduce_max3A_269 : vector<128xf32> to vector<128x1xf32>
      %eq3A_271 = vector.broadcast %broadcast_in_dim3A_270 : vector<128x1xf32> to vector<128x2048xf32>
      %eq3A_272 = arith.cmpf oeq, %slice3A_267, %eq3A_271 : vector<128x2048xf32>
      %jit3A_273 = arith.constant 1073741824 : i32
      %broadcast_in_dim3A_274 = vector.broadcast %jit3A_273 : i32 to vector<128x2048xi32>
      %select_n3A_275 = arith.select %eq3A_272, %iota3A, %broadcast_in_dim3A_274 : vector<128x2048xi1>, vector<128x2048xi32>
      %reduce_min3A_276 = arith.constant dense<2147483647> : vector<128xi32>
      %reduce_min3A_277 = vector.multi_reduction <minsi>, %select_n3A_275, %reduce_min3A_276 [1] : vector<128x2048xi32> to vector<128xi32>
      %get3A_278 = arith.constant 0 : index
      %get3A_279 = arith.constant 0 : index
      %get3A_280 = arith.constant 0 : index
      %get3A_281 = vector.load %arg3[%get3A_278, %get3A_279, %get3A_280] : memref<1x1x128xf32, #tpu.memory_space<vmem>>, vector<1x1x128xf32>
      %get3A_282 = vector.shape_cast %get3A_281 : vector<1x1x128xf32> to vector<128xf32>
      %gt3A_283 = arith.cmpf ogt, %reduce_max3A_269, %get3A_282 : vector<128xf32>
      %select_n3A_284 = arith.select %gt3A_283, %reduce_max3A_269, %get3A_282 : vector<128xi1>, vector<128xf32>
      %swap3A_285 = arith.constant 0 : index
      %swap3A_286 = arith.constant 0 : index
      %swap3A_287 = arith.constant 0 : index
      %swap3A_288 = vector.load %arg3[%swap3A_285, %swap3A_286, %swap3A_287] : memref<1x1x128xf32, #tpu.memory_space<vmem>>, vector<1x1x128xf32>
      %swap3A_289 = vector.shape_cast %swap3A_288 : vector<1x1x128xf32> to vector<128xf32>
      %swap3A_290 = vector.shape_cast %select_n3A_284 : vector<128xf32> to vector<1x1x128xf32>
      tpu.vector_store %arg3[%swap3A_285, %swap3A_286, %swap3A_287], %swap3A_290 {strides = array<i32>} : memref<1x1x128xf32, #tpu.memory_space<vmem>>, vector<1x1x128xf32>,
      %mul3A_291 = arith.constant 8 : i32
      %mul3A_292 = arith.muli %arg1, %mul3A_291 : i32
      %add3A_293 = arith.constant 6 : i32
      %add3A_294 = arith.addi %mul3A_292, %add3A_293 : i32
      %mul3A_295 = arith.constant 2048 : i32
      %mul3A_296 = arith.muli %add3A_294, %mul3A_295 : i32
      %add3A_297 = vector.broadcast %mul3A_296 : i32 to vector<128xi32>
      %add3A_298 = arith.addi %add3A_297, %reduce_min3A_277 : vector<128xi32>
      %get3A_299 = arith.constant 0 : index
      %get3A_300 = arith.constant 0 : index
      %get3A_301 = arith.constant 0 : index
      %get3A_302 = vector.load %arg4[%get3A_299, %get3A_300, %get3A_301] : memref<1x1x128xi32, #tpu.memory_space<vmem>>, vector<1x1x128xi32>
      %get3A_303 = vector.shape_cast %get3A_302 : vector<1x1x128xi32> to vector<128xi32>
      %select_n3A_304 = arith.select %gt3A_283, %add3A_298, %get3A_303 : vector<128xi1>, vector<128xi32>
      %swap3A_305 = arith.constant 0 : index
      %swap3A_306 = arith.constant 0 : index
      %swap3A_307 = arith.constant 0 : index
      %swap3A_308 = vector.load %arg4[%swap3A_305, %swap3A_306, %swap3A_307] : memref<1x1x128xi32, #tpu.memory_space<vmem>>, vector<1x1x128xi32>
      %swap3A_309 = vector.shape_cast %swap3A_308 : vector<1x1x128xi32> to vector<128xi32>
      %swap3A_310 = vector.shape_cast %select_n3A_304 : vector<128xi32> to vector<1x1x128xi32>
      tpu.vector_store %arg4[%swap3A_305, %swap3A_306, %swap3A_307], %swap3A_310 {strides = array<i32>} : memref<1x1x128xi32, #tpu.memory_space<vmem>>, vector<1x1x128xi32>,
      %slice3A_311 = vector.extract_strided_slice %get3A_12 {offsets = [0, 14336], sizes = [128, 2048], strides = [1, 1]} : vector<128x16384xf32> to vector<128x2048xf32>
      %reduce_max3A_312 = arith.constant dense<0xFF800000> : vector<128xf32>
      %reduce_max3A_313 = vector.multi_reduction <maximumf>, %slice3A_311, %reduce_max3A_312 [1] : vector<128x2048xf32> to vector<128xf32>
      %broadcast_in_dim3A_314 = vector.shape_cast %reduce_max3A_313 : vector<128xf32> to vector<128x1xf32>
      %eq3A_315 = vector.broadcast %broadcast_in_dim3A_314 : vector<128x1xf32> to vector<128x2048xf32>
      %eq3A_316 = arith.cmpf oeq, %slice3A_311, %eq3A_315 : vector<128x2048xf32>
      %jit3A_317 = arith.constant 1073741824 : i32
      %broadcast_in_dim3A_318 = vector.broadcast %jit3A_317 : i32 to vector<128x2048xi32>
      %select_n3A_319 = arith.select %eq3A_316, %iota3A, %broadcast_in_dim3A_318 : vector<128x2048xi1>, vector<128x2048xi32>
      %reduce_min3A_320 = arith.constant dense<2147483647> : vector<128xi32>
      %reduce_min3A_321 = vector.multi_reduction <minsi>, %select_n3A_319, %reduce_min3A_320 [1] : vector<128x2048xi32> to vector<128xi32>
      %get3A_322 = arith.constant 0 : index
      %get3A_323 = arith.constant 0 : index
      %get3A_324 = arith.constant 0 : index
      %get3A_325 = vector.load %arg3[%get3A_322, %get3A_323, %get3A_324] : memref<1x1x128xf32, #tpu.memory_space<vmem>>, vector<1x1x128xf32>
      %get3A_326 = vector.shape_cast %get3A_325 : vector<1x1x128xf32> to vector<128xf32>
      %gt3A_327 = arith.cmpf ogt, %reduce_max3A_313, %get3A_326 : vector<128xf32>
      %select_n3A_328 = arith.select %gt3A_327, %reduce_max3A_313, %get3A_326 : vector<128xi1>, vector<128xf32>
      %swap3A_329 = arith.constant 0 : index
      %swap3A_330 = arith.constant 0 : index
      %swap3A_331 = arith.constant 0 : index
      %swap3A_332 = vector.load %arg3[%swap3A_329, %swap3A_330, %swap3A_331] : memref<1x1x128xf32, #tpu.memory_space<vmem>>, vector<1x1x128xf32>
      %swap3A_333 = vector.shape_cast %swap3A_332 : vector<1x1x128xf32> to vector<128xf32>
      %swap3A_334 = vector.shape_cast %select_n3A_328 : vector<128xf32> to vector<1x1x128xf32>
      tpu.vector_store %arg3[%swap3A_329, %swap3A_330, %swap3A_331], %swap3A_334 {strides = array<i32>} : memref<1x1x128xf32, #tpu.memory_space<vmem>>, vector<1x1x128xf32>,
      %mul3A_335 = arith.constant 8 : i32
      %mul3A_336 = arith.muli %arg1, %mul3A_335 : i32
      %add3A_337 = arith.constant 7 : i32
      %add3A_338 = arith.addi %mul3A_336, %add3A_337 : i32
      %mul3A_339 = arith.constant 2048 : i32
      %mul3A_340 = arith.muli %add3A_338, %mul3A_339 : i32
      %add3A_341 = vector.broadcast %mul3A_340 : i32 to vector<128xi32>
      %add3A_342 = arith.addi %add3A_341, %reduce_min3A_321 : vector<128xi32>
      %get3A_343 = arith.constant 0 : index
      %get3A_344 = arith.constant 0 : index
      %get3A_345 = arith.constant 0 : index
      %get3A_346 = vector.load %arg4[%get3A_343, %get3A_344, %get3A_345] : memref<1x1x128xi32, #tpu.memory_space<vmem>>, vector<1x1x128xi32>
      %get3A_347 = vector.shape_cast %get3A_346 : vector<1x1x128xi32> to vector<128xi32>
      %select_n3A_348 = arith.select %gt3A_327, %add3A_342, %get3A_347 : vector<128xi1>, vector<128xi32>
      %swap3A_349 = arith.constant 0 : index
      %swap3A_350 = arith.constant 0 : index
      %swap3A_351 = arith.constant 0 : index
      %swap3A_352 = vector.load %arg4[%swap3A_349, %swap3A_350, %swap3A_351] : memref<1x1x128xi32, #tpu.memory_space<vmem>>, vector<1x1x128xi32>
      %swap3A_353 = vector.shape_cast %swap3A_352 : vector<1x1x128xi32> to vector<128xi32>
      %swap3A_354 = vector.shape_cast %select_n3A_348 : vector<128xi32> to vector<1x1x128xi32>
      tpu.vector_store %arg4[%swap3A_349, %swap3A_350, %swap3A_351], %swap3A_354 {strides = array<i32>} : memref<1x1x128xi32, #tpu.memory_space<vmem>>, vector<1x1x128xi32>,
    } else {
    }
    %eq3A_6 = arith.constant 6 : i32
    %eq3A_7 = arith.cmpi eq, %arg1, %eq3A_6 : i32
    %convert_element_type3A_8 = arith.extui %eq3A_7 : i1 to i32
    %cond3A_9 = arith.constant 0 : i32
    %cond3A_10 = arith.cmpi ne, %convert_element_type3A_8, %cond3A_9 : i32
    scf.if %cond3A_10 {
      %iota3A_11 = tpu.iota {dimensions = array<i32: 1>} : vector<128x16384xi32>
      %lt3A_12 = arith.constant 1696 : i32
      %lt3A_13 = vector.broadcast %lt3A_12 : i32 to vector<128x16384xi32>
      %lt3A_14 = arith.cmpi slt, %iota3A_11, %lt3A_13 : vector<128x16384xi32>
      %get3A = arith.constant 0 : index
      %get3A_15 = arith.constant 0 : index
      %get3A_16 = vector.load %arg2[%get3A, %get3A_15] : memref<128x16384xf32, #tpu.memory_space<vmem>>, vector<128x16384xf32>
      %jit3A = arith.constant -1.000000e+00 : f32
      %broadcast_in_dim3A = vector.broadcast %jit3A : f32 to vector<128x16384xf32>
      %select_n3A = arith.select %lt3A_14, %get3A_16, %broadcast_in_dim3A : vector<128x16384xi1>, vector<128x16384xf32>
      %slice3A = vector.extract_strided_slice %select_n3A {offsets = [0, 0], sizes = [128, 2048], strides = [1, 1]} : vector<128x16384xf32> to vector<128x2048xf32>
      %reduce_max3A = arith.constant dense<0xFF800000> : vector<128xf32>
      %reduce_max3A_17 = vector.multi_reduction <maximumf>, %slice3A, %reduce_max3A [1] : vector<128x2048xf32> to vector<128xf32>
      %broadcast_in_dim3A_18 = vector.shape_cast %reduce_max3A_17 : vector<128xf32> to vector<128x1xf32>
      %eq3A_19 = vector.broadcast %broadcast_in_dim3A_18 : vector<128x1xf32> to vector<128x2048xf32>
      %eq3A_20 = arith.cmpf oeq, %slice3A, %eq3A_19 : vector<128x2048xf32>
      %jit3A_21 = arith.constant 1073741824 : i32
      %broadcast_in_dim3A_22 = vector.broadcast %jit3A_21 : i32 to vector<128x2048xi32>
      %select_n3A_23 = arith.select %eq3A_20, %iota3A, %broadcast_in_dim3A_22 : vector<128x2048xi1>, vector<128x2048xi32>
      %reduce_min3A = arith.constant dense<2147483647> : vector<128xi32>
      %reduce_min3A_24 = vector.multi_reduction <minsi>, %select_n3A_23, %reduce_min3A [1] : vector<128x2048xi32> to vector<128xi32>
      %get3A_25 = arith.constant 0 : index
      %get3A_26 = arith.constant 0 : index
      %get3A_27 = arith.constant 0 : index
      %get3A_28 = vector.load %arg3[%get3A_25, %get3A_26, %get3A_27] : memref<1x1x128xf32, #tpu.memory_space<vmem>>, vector<1x1x128xf32>
      %get3A_29 = vector.shape_cast %get3A_28 : vector<1x1x128xf32> to vector<128xf32>
      %gt3A = arith.cmpf ogt, %reduce_max3A_17, %get3A_29 : vector<128xf32>
      %select_n3A_30 = arith.select %gt3A, %reduce_max3A_17, %get3A_29 : vector<128xi1>, vector<128xf32>
      %swap3A = arith.constant 0 : index
      %swap3A_31 = arith.constant 0 : index
      %swap3A_32 = arith.constant 0 : index
      %swap3A_33 = vector.load %arg3[%swap3A, %swap3A_31, %swap3A_32] : memref<1x1x128xf32, #tpu.memory_space<vmem>>, vector<1x1x128xf32>
      %swap3A_34 = vector.shape_cast %swap3A_33 : vector<1x1x128xf32> to vector<128xf32>
      %swap3A_35 = vector.shape_cast %select_n3A_30 : vector<128xf32> to vector<1x1x128xf32>
      tpu.vector_store %arg3[%swap3A, %swap3A_31, %swap3A_32], %swap3A_35 {strides = array<i32>} : memref<1x1x128xf32, #tpu.memory_space<vmem>>, vector<1x1x128xf32>,
      %mul3A = arith.constant 8 : i32
      %mul3A_36 = arith.muli %arg1, %mul3A : i32
      %add3A = arith.constant 0 : i32
      %add3A_37 = arith.addi %mul3A_36, %add3A : i32
      %mul3A_38 = arith.constant 2048 : i32
      %mul3A_39 = arith.muli %add3A_37, %mul3A_38 : i32
      %add3A_40 = vector.broadcast %mul3A_39 : i32 to vector<128xi32>
      %add3A_41 = arith.addi %add3A_40, %reduce_min3A_24 : vector<128xi32>
      %get3A_42 = arith.constant 0 : index
      %get3A_43 = arith.constant 0 : index
      %get3A_44 = arith.constant 0 : index
      %get3A_45 = vector.load %arg4[%get3A_42, %get3A_43, %get3A_44] : memref<1x1x128xi32, #tpu.memory_space<vmem>>, vector<1x1x128xi32>
      %get3A_46 = vector.shape_cast %get3A_45 : vector<1x1x128xi32> to vector<128xi32>
      %select_n3A_47 = arith.select %gt3A, %add3A_41, %get3A_46 : vector<128xi1>, vector<128xi32>
      %swap3A_48 = arith.constant 0 : index
      %swap3A_49 = arith.constant 0 : index
      %swap3A_50 = arith.constant 0 : index
      %swap3A_51 = vector.load %arg4[%swap3A_48, %swap3A_49, %swap3A_50] : memref<1x1x128xi32, #tpu.memory_space<vmem>>, vector<1x1x128xi32>
      %swap3A_52 = vector.shape_cast %swap3A_51 : vector<1x1x128xi32> to vector<128xi32>
      %swap3A_53 = vector.shape_cast %select_n3A_47 : vector<128xi32> to vector<1x1x128xi32>
      tpu.vector_store %arg4[%swap3A_48, %swap3A_49, %swap3A_50], %swap3A_53 {strides = array<i32>} : memref<1x1x128xi32, #tpu.memory_space<vmem>>, vector<1x1x128xi32>,
      %slice3A_54 = vector.extract_strided_slice %select_n3A {offsets = [0, 2048], sizes = [128, 2048], strides = [1, 1]} : vector<128x16384xf32> to vector<128x2048xf32>
      %reduce_max3A_55 = arith.constant dense<0xFF800000> : vector<128xf32>
      %reduce_max3A_56 = vector.multi_reduction <maximumf>, %slice3A_54, %reduce_max3A_55 [1] : vector<128x2048xf32> to vector<128xf32>
      %broadcast_in_dim3A_57 = vector.shape_cast %reduce_max3A_56 : vector<128xf32> to vector<128x1xf32>
      %eq3A_58 = vector.broadcast %broadcast_in_dim3A_57 : vector<128x1xf32> to vector<128x2048xf32>
      %eq3A_59 = arith.cmpf oeq, %slice3A_54, %eq3A_58 : vector<128x2048xf32>
      %jit3A_60 = arith.constant 1073741824 : i32
      %broadcast_in_dim3A_61 = vector.broadcast %jit3A_60 : i32 to vector<128x2048xi32>
      %select_n3A_62 = arith.select %eq3A_59, %iota3A, %broadcast_in_dim3A_61 : vector<128x2048xi1>, vector<128x2048xi32>
      %reduce_min3A_63 = arith.constant dense<2147483647> : vector<128xi32>
      %reduce_min3A_64 = vector.multi_reduction <minsi>, %select_n3A_62, %reduce_min3A_63 [1] : vector<128x2048xi32> to vector<128xi32>
      %get3A_65 = arith.constant 0 : index
      %get3A_66 = arith.constant 0 : index
      %get3A_67 = arith.constant 0 : index
      %get3A_68 = vector.load %arg3[%get3A_65, %get3A_66, %get3A_67] : memref<1x1x128xf32, #tpu.memory_space<vmem>>, vector<1x1x128xf32>
      %get3A_69 = vector.shape_cast %get3A_68 : vector<1x1x128xf32> to vector<128xf32>
      %gt3A_70 = arith.cmpf ogt, %reduce_max3A_56, %get3A_69 : vector<128xf32>
      %select_n3A_71 = arith.select %gt3A_70, %reduce_max3A_56, %get3A_69 : vector<128xi1>, vector<128xf32>
      %swap3A_72 = arith.constant 0 : index
      %swap3A_73 = arith.constant 0 : index
      %swap3A_74 = arith.constant 0 : index
      %swap3A_75 = vector.load %arg3[%swap3A_72, %swap3A_73, %swap3A_74] : memref<1x1x128xf32, #tpu.memory_space<vmem>>, vector<1x1x128xf32>
      %swap3A_76 = vector.shape_cast %swap3A_75 : vector<1x1x128xf32> to vector<128xf32>
      %swap3A_77 = vector.shape_cast %select_n3A_71 : vector<128xf32> to vector<1x1x128xf32>
      tpu.vector_store %arg3[%swap3A_72, %swap3A_73, %swap3A_74], %swap3A_77 {strides = array<i32>} : memref<1x1x128xf32, #tpu.memory_space<vmem>>, vector<1x1x128xf32>,
      %mul3A_78 = arith.constant 8 : i32
      %mul3A_79 = arith.muli %arg1, %mul3A_78 : i32
      %add3A_80 = arith.constant 1 : i32
      %add3A_81 = arith.addi %mul3A_79, %add3A_80 : i32
      %mul3A_82 = arith.constant 2048 : i32
      %mul3A_83 = arith.muli %add3A_81, %mul3A_82 : i32
      %add3A_84 = vector.broadcast %mul3A_83 : i32 to vector<128xi32>
      %add3A_85 = arith.addi %add3A_84, %reduce_min3A_64 : vector<128xi32>
      %get3A_86 = arith.constant 0 : index
      %get3A_87 = arith.constant 0 : index
      %get3A_88 = arith.constant 0 : index
      %get3A_89 = vector.load %arg4[%get3A_86, %get3A_87, %get3A_88] : memref<1x1x128xi32, #tpu.memory_space<vmem>>, vector<1x1x128xi32>
      %get3A_90 = vector.shape_cast %get3A_89 : vector<1x1x128xi32> to vector<128xi32>
      %select_n3A_91 = arith.select %gt3A_70, %add3A_85, %get3A_90 : vector<128xi1>, vector<128xi32>
      %swap3A_92 = arith.constant 0 : index
      %swap3A_93 = arith.constant 0 : index
      %swap3A_94 = arith.constant 0 : index
      %swap3A_95 = vector.load %arg4[%swap3A_92, %swap3A_93, %swap3A_94] : memref<1x1x128xi32, #tpu.memory_space<vmem>>, vector<1x1x128xi32>
      %swap3A_96 = vector.shape_cast %swap3A_95 : vector<1x1x128xi32> to vector<128xi32>
      %swap3A_97 = vector.shape_cast %select_n3A_91 : vector<128xi32> to vector<1x1x128xi32>
      tpu.vector_store %arg4[%swap3A_92, %swap3A_93, %swap3A_94], %swap3A_97 {strides = array<i32>} : memref<1x1x128xi32, #tpu.memory_space<vmem>>, vector<1x1x128xi32>,
      %slice3A_98 = vector.extract_strided_slice %select_n3A {offsets = [0, 4096], sizes = [128, 2048], strides = [1, 1]} : vector<128x16384xf32> to vector<128x2048xf32>
      %reduce_max3A_99 = arith.constant dense<0xFF800000> : vector<128xf32>
      %reduce_max3A_100 = vector.multi_reduction <maximumf>, %slice3A_98, %reduce_max3A_99 [1] : vector<128x2048xf32> to vector<128xf32>
      %broadcast_in_dim3A_101 = vector.shape_cast %reduce_max3A_100 : vector<128xf32> to vector<128x1xf32>
      %eq3A_102 = vector.broadcast %broadcast_in_dim3A_101 : vector<128x1xf32> to vector<128x2048xf32>
      %eq3A_103 = arith.cmpf oeq, %slice3A_98, %eq3A_102 : vector<128x2048xf32>
      %jit3A_104 = arith.constant 1073741824 : i32
      %broadcast_in_dim3A_105 = vector.broadcast %jit3A_104 : i32 to vector<128x2048xi32>
      %select_n3A_106 = arith.select %eq3A_103, %iota3A, %broadcast_in_dim3A_105 : vector<128x2048xi1>, vector<128x2048xi32>
      %reduce_min3A_107 = arith.constant dense<2147483647> : vector<128xi32>
      %reduce_min3A_108 = vector.multi_reduction <minsi>, %select_n3A_106, %reduce_min3A_107 [1] : vector<128x2048xi32> to vector<128xi32>
      %get3A_109 = arith.constant 0 : index
      %get3A_110 = arith.constant 0 : index
      %get3A_111 = arith.constant 0 : index
      %get3A_112 = vector.load %arg3[%get3A_109, %get3A_110, %get3A_111] : memref<1x1x128xf32, #tpu.memory_space<vmem>>, vector<1x1x128xf32>
      %get3A_113 = vector.shape_cast %get3A_112 : vector<1x1x128xf32> to vector<128xf32>
      %gt3A_114 = arith.cmpf ogt, %reduce_max3A_100, %get3A_113 : vector<128xf32>
      %select_n3A_115 = arith.select %gt3A_114, %reduce_max3A_100, %get3A_113 : vector<128xi1>, vector<128xf32>
      %swap3A_116 = arith.constant 0 : index
      %swap3A_117 = arith.constant 0 : index
      %swap3A_118 = arith.constant 0 : index
      %swap3A_119 = vector.load %arg3[%swap3A_116, %swap3A_117, %swap3A_118] : memref<1x1x128xf32, #tpu.memory_space<vmem>>, vector<1x1x128xf32>
      %swap3A_120 = vector.shape_cast %swap3A_119 : vector<1x1x128xf32> to vector<128xf32>
      %swap3A_121 = vector.shape_cast %select_n3A_115 : vector<128xf32> to vector<1x1x128xf32>
      tpu.vector_store %arg3[%swap3A_116, %swap3A_117, %swap3A_118], %swap3A_121 {strides = array<i32>} : memref<1x1x128xf32, #tpu.memory_space<vmem>>, vector<1x1x128xf32>,
      %mul3A_122 = arith.constant 8 : i32
      %mul3A_123 = arith.muli %arg1, %mul3A_122 : i32
      %add3A_124 = arith.constant 2 : i32
      %add3A_125 = arith.addi %mul3A_123, %add3A_124 : i32
      %mul3A_126 = arith.constant 2048 : i32
      %mul3A_127 = arith.muli %add3A_125, %mul3A_126 : i32
      %add3A_128 = vector.broadcast %mul3A_127 : i32 to vector<128xi32>
      %add3A_129 = arith.addi %add3A_128, %reduce_min3A_108 : vector<128xi32>
      %get3A_130 = arith.constant 0 : index
      %get3A_131 = arith.constant 0 : index
      %get3A_132 = arith.constant 0 : index
      %get3A_133 = vector.load %arg4[%get3A_130, %get3A_131, %get3A_132] : memref<1x1x128xi32, #tpu.memory_space<vmem>>, vector<1x1x128xi32>
      %get3A_134 = vector.shape_cast %get3A_133 : vector<1x1x128xi32> to vector<128xi32>
      %select_n3A_135 = arith.select %gt3A_114, %add3A_129, %get3A_134 : vector<128xi1>, vector<128xi32>
      %swap3A_136 = arith.constant 0 : index
      %swap3A_137 = arith.constant 0 : index
      %swap3A_138 = arith.constant 0 : index
      %swap3A_139 = vector.load %arg4[%swap3A_136, %swap3A_137, %swap3A_138] : memref<1x1x128xi32, #tpu.memory_space<vmem>>, vector<1x1x128xi32>
      %swap3A_140 = vector.shape_cast %swap3A_139 : vector<1x1x128xi32> to vector<128xi32>
      %swap3A_141 = vector.shape_cast %select_n3A_135 : vector<128xi32> to vector<1x1x128xi32>
      tpu.vector_store %arg4[%swap3A_136, %swap3A_137, %swap3A_138], %swap3A_141 {strides = array<i32>} : memref<1x1x128xi32, #tpu.memory_space<vmem>>, vector<1x1x128xi32>,
      %slice3A_142 = vector.extract_strided_slice %select_n3A {offsets = [0, 6144], sizes = [128, 2048], strides = [1, 1]} : vector<128x16384xf32> to vector<128x2048xf32>
      %reduce_max3A_143 = arith.constant dense<0xFF800000> : vector<128xf32>
      %reduce_max3A_144 = vector.multi_reduction <maximumf>, %slice3A_142, %reduce_max3A_143 [1] : vector<128x2048xf32> to vector<128xf32>
      %broadcast_in_dim3A_145 = vector.shape_cast %reduce_max3A_144 : vector<128xf32> to vector<128x1xf32>
      %eq3A_146 = vector.broadcast %broadcast_in_dim3A_145 : vector<128x1xf32> to vector<128x2048xf32>
      %eq3A_147 = arith.cmpf oeq, %slice3A_142, %eq3A_146 : vector<128x2048xf32>
      %jit3A_148 = arith.constant 1073741824 : i32
      %broadcast_in_dim3A_149 = vector.broadcast %jit3A_148 : i32 to vector<128x2048xi32>
      %select_n3A_150 = arith.select %eq3A_147, %iota3A, %broadcast_in_dim3A_149 : vector<128x2048xi1>, vector<128x2048xi32>
      %reduce_min3A_151 = arith.constant dense<2147483647> : vector<128xi32>
      %reduce_min3A_152 = vector.multi_reduction <minsi>, %select_n3A_150, %reduce_min3A_151 [1] : vector<128x2048xi32> to vector<128xi32>
      %get3A_153 = arith.constant 0 : index
      %get3A_154 = arith.constant 0 : index
      %get3A_155 = arith.constant 0 : index
      %get3A_156 = vector.load %arg3[%get3A_153, %get3A_154, %get3A_155] : memref<1x1x128xf32, #tpu.memory_space<vmem>>, vector<1x1x128xf32>
      %get3A_157 = vector.shape_cast %get3A_156 : vector<1x1x128xf32> to vector<128xf32>
      %gt3A_158 = arith.cmpf ogt, %reduce_max3A_144, %get3A_157 : vector<128xf32>
      %select_n3A_159 = arith.select %gt3A_158, %reduce_max3A_144, %get3A_157 : vector<128xi1>, vector<128xf32>
      %swap3A_160 = arith.constant 0 : index
      %swap3A_161 = arith.constant 0 : index
      %swap3A_162 = arith.constant 0 : index
      %swap3A_163 = vector.load %arg3[%swap3A_160, %swap3A_161, %swap3A_162] : memref<1x1x128xf32, #tpu.memory_space<vmem>>, vector<1x1x128xf32>
      %swap3A_164 = vector.shape_cast %swap3A_163 : vector<1x1x128xf32> to vector<128xf32>
      %swap3A_165 = vector.shape_cast %select_n3A_159 : vector<128xf32> to vector<1x1x128xf32>
      tpu.vector_store %arg3[%swap3A_160, %swap3A_161, %swap3A_162], %swap3A_165 {strides = array<i32>} : memref<1x1x128xf32, #tpu.memory_space<vmem>>, vector<1x1x128xf32>,
      %mul3A_166 = arith.constant 8 : i32
      %mul3A_167 = arith.muli %arg1, %mul3A_166 : i32
      %add3A_168 = arith.constant 3 : i32
      %add3A_169 = arith.addi %mul3A_167, %add3A_168 : i32
      %mul3A_170 = arith.constant 2048 : i32
      %mul3A_171 = arith.muli %add3A_169, %mul3A_170 : i32
      %add3A_172 = vector.broadcast %mul3A_171 : i32 to vector<128xi32>
      %add3A_173 = arith.addi %add3A_172, %reduce_min3A_152 : vector<128xi32>
      %get3A_174 = arith.constant 0 : index
      %get3A_175 = arith.constant 0 : index
      %get3A_176 = arith.constant 0 : index
      %get3A_177 = vector.load %arg4[%get3A_174, %get3A_175, %get3A_176] : memref<1x1x128xi32, #tpu.memory_space<vmem>>, vector<1x1x128xi32>
      %get3A_178 = vector.shape_cast %get3A_177 : vector<1x1x128xi32> to vector<128xi32>
      %select_n3A_179 = arith.select %gt3A_158, %add3A_173, %get3A_178 : vector<128xi1>, vector<128xi32>
      %swap3A_180 = arith.constant 0 : index
      %swap3A_181 = arith.constant 0 : index
      %swap3A_182 = arith.constant 0 : index
      %swap3A_183 = vector.load %arg4[%swap3A_180, %swap3A_181, %swap3A_182] : memref<1x1x128xi32, #tpu.memory_space<vmem>>, vector<1x1x128xi32>
      %swap3A_184 = vector.shape_cast %swap3A_183 : vector<1x1x128xi32> to vector<128xi32>
      %swap3A_185 = vector.shape_cast %select_n3A_179 : vector<128xi32> to vector<1x1x128xi32>
      tpu.vector_store %arg4[%swap3A_180, %swap3A_181, %swap3A_182], %swap3A_185 {strides = array<i32>} : memref<1x1x128xi32, #tpu.memory_space<vmem>>, vector<1x1x128xi32>,
      %slice3A_186 = vector.extract_strided_slice %select_n3A {offsets = [0, 8192], sizes = [128, 2048], strides = [1, 1]} : vector<128x16384xf32> to vector<128x2048xf32>
      %reduce_max3A_187 = arith.constant dense<0xFF800000> : vector<128xf32>
      %reduce_max3A_188 = vector.multi_reduction <maximumf>, %slice3A_186, %reduce_max3A_187 [1] : vector<128x2048xf32> to vector<128xf32>
      %broadcast_in_dim3A_189 = vector.shape_cast %reduce_max3A_188 : vector<128xf32> to vector<128x1xf32>
      %eq3A_190 = vector.broadcast %broadcast_in_dim3A_189 : vector<128x1xf32> to vector<128x2048xf32>
      %eq3A_191 = arith.cmpf oeq, %slice3A_186, %eq3A_190 : vector<128x2048xf32>
      %jit3A_192 = arith.constant 1073741824 : i32
      %broadcast_in_dim3A_193 = vector.broadcast %jit3A_192 : i32 to vector<128x2048xi32>
      %select_n3A_194 = arith.select %eq3A_191, %iota3A, %broadcast_in_dim3A_193 : vector<128x2048xi1>, vector<128x2048xi32>
      %reduce_min3A_195 = arith.constant dense<2147483647> : vector<128xi32>
      %reduce_min3A_196 = vector.multi_reduction <minsi>, %select_n3A_194, %reduce_min3A_195 [1] : vector<128x2048xi32> to vector<128xi32>
      %get3A_197 = arith.constant 0 : index
      %get3A_198 = arith.constant 0 : index
      %get3A_199 = arith.constant 0 : index
      %get3A_200 = vector.load %arg3[%get3A_197, %get3A_198, %get3A_199] : memref<1x1x128xf32, #tpu.memory_space<vmem>>, vector<1x1x128xf32>
      %get3A_201 = vector.shape_cast %get3A_200 : vector<1x1x128xf32> to vector<128xf32>
      %gt3A_202 = arith.cmpf ogt, %reduce_max3A_188, %get3A_201 : vector<128xf32>
      %select_n3A_203 = arith.select %gt3A_202, %reduce_max3A_188, %get3A_201 : vector<128xi1>, vector<128xf32>
      %swap3A_204 = arith.constant 0 : index
      %swap3A_205 = arith.constant 0 : index
      %swap3A_206 = arith.constant 0 : index
      %swap3A_207 = vector.load %arg3[%swap3A_204, %swap3A_205, %swap3A_206] : memref<1x1x128xf32, #tpu.memory_space<vmem>>, vector<1x1x128xf32>
      %swap3A_208 = vector.shape_cast %swap3A_207 : vector<1x1x128xf32> to vector<128xf32>
      %swap3A_209 = vector.shape_cast %select_n3A_203 : vector<128xf32> to vector<1x1x128xf32>
      tpu.vector_store %arg3[%swap3A_204, %swap3A_205, %swap3A_206], %swap3A_209 {strides = array<i32>} : memref<1x1x128xf32, #tpu.memory_space<vmem>>, vector<1x1x128xf32>,
      %mul3A_210 = arith.constant 8 : i32
      %mul3A_211 = arith.muli %arg1, %mul3A_210 : i32
      %add3A_212 = arith.constant 4 : i32
      %add3A_213 = arith.addi %mul3A_211, %add3A_212 : i32
      %mul3A_214 = arith.constant 2048 : i32
      %mul3A_215 = arith.muli %add3A_213, %mul3A_214 : i32
      %add3A_216 = vector.broadcast %mul3A_215 : i32 to vector<128xi32>
      %add3A_217 = arith.addi %add3A_216, %reduce_min3A_196 : vector<128xi32>
      %get3A_218 = arith.constant 0 : index
      %get3A_219 = arith.constant 0 : index
      %get3A_220 = arith.constant 0 : index
      %get3A_221 = vector.load %arg4[%get3A_218, %get3A_219, %get3A_220] : memref<1x1x128xi32, #tpu.memory_space<vmem>>, vector<1x1x128xi32>
      %get3A_222 = vector.shape_cast %get3A_221 : vector<1x1x128xi32> to vector<128xi32>
      %select_n3A_223 = arith.select %gt3A_202, %add3A_217, %get3A_222 : vector<128xi1>, vector<128xi32>
      %swap3A_224 = arith.constant 0 : index
      %swap3A_225 = arith.constant 0 : index
      %swap3A_226 = arith.constant 0 : index
      %swap3A_227 = vector.load %arg4[%swap3A_224, %swap3A_225, %swap3A_226] : memref<1x1x128xi32, #tpu.memory_space<vmem>>, vector<1x1x128xi32>
      %swap3A_228 = vector.shape_cast %swap3A_227 : vector<1x1x128xi32> to vector<128xi32>
      %swap3A_229 = vector.shape_cast %select_n3A_223 : vector<128xi32> to vector<1x1x128xi32>
      tpu.vector_store %arg4[%swap3A_224, %swap3A_225, %swap3A_226], %swap3A_229 {strides = array<i32>} : memref<1x1x128xi32, #tpu.memory_space<vmem>>, vector<1x1x128xi32>,
      %slice3A_230 = vector.extract_strided_slice %select_n3A {offsets = [0, 10240], sizes = [128, 2048], strides = [1, 1]} : vector<128x16384xf32> to vector<128x2048xf32>
      %reduce_max3A_231 = arith.constant dense<0xFF800000> : vector<128xf32>
      %reduce_max3A_232 = vector.multi_reduction <maximumf>, %slice3A_230, %reduce_max3A_231 [1] : vector<128x2048xf32> to vector<128xf32>
      %broadcast_in_dim3A_233 = vector.shape_cast %reduce_max3A_232 : vector<128xf32> to vector<128x1xf32>
      %eq3A_234 = vector.broadcast %broadcast_in_dim3A_233 : vector<128x1xf32> to vector<128x2048xf32>
      %eq3A_235 = arith.cmpf oeq, %slice3A_230, %eq3A_234 : vector<128x2048xf32>
      %jit3A_236 = arith.constant 1073741824 : i32
      %broadcast_in_dim3A_237 = vector.broadcast %jit3A_236 : i32 to vector<128x2048xi32>
      %select_n3A_238 = arith.select %eq3A_235, %iota3A, %broadcast_in_dim3A_237 : vector<128x2048xi1>, vector<128x2048xi32>
      %reduce_min3A_239 = arith.constant dense<2147483647> : vector<128xi32>
      %reduce_min3A_240 = vector.multi_reduction <minsi>, %select_n3A_238, %reduce_min3A_239 [1] : vector<128x2048xi32> to vector<128xi32>
      %get3A_241 = arith.constant 0 : index
      %get3A_242 = arith.constant 0 : index
      %get3A_243 = arith.constant 0 : index
      %get3A_244 = vector.load %arg3[%get3A_241, %get3A_242, %get3A_243] : memref<1x1x128xf32, #tpu.memory_space<vmem>>, vector<1x1x128xf32>
      %get3A_245 = vector.shape_cast %get3A_244 : vector<1x1x128xf32> to vector<128xf32>
      %gt3A_246 = arith.cmpf ogt, %reduce_max3A_232, %get3A_245 : vector<128xf32>
      %select_n3A_247 = arith.select %gt3A_246, %reduce_max3A_232, %get3A_245 : vector<128xi1>, vector<128xf32>
      %swap3A_248 = arith.constant 0 : index
      %swap3A_249 = arith.constant 0 : index
      %swap3A_250 = arith.constant 0 : index
      %swap3A_251 = vector.load %arg3[%swap3A_248, %swap3A_249, %swap3A_250] : memref<1x1x128xf32, #tpu.memory_space<vmem>>, vector<1x1x128xf32>
      %swap3A_252 = vector.shape_cast %swap3A_251 : vector<1x1x128xf32> to vector<128xf32>
      %swap3A_253 = vector.shape_cast %select_n3A_247 : vector<128xf32> to vector<1x1x128xf32>
      tpu.vector_store %arg3[%swap3A_248, %swap3A_249, %swap3A_250], %swap3A_253 {strides = array<i32>} : memref<1x1x128xf32, #tpu.memory_space<vmem>>, vector<1x1x128xf32>,
      %mul3A_254 = arith.constant 8 : i32
      %mul3A_255 = arith.muli %arg1, %mul3A_254 : i32
      %add3A_256 = arith.constant 5 : i32
      %add3A_257 = arith.addi %mul3A_255, %add3A_256 : i32
      %mul3A_258 = arith.constant 2048 : i32
      %mul3A_259 = arith.muli %add3A_257, %mul3A_258 : i32
      %add3A_260 = vector.broadcast %mul3A_259 : i32 to vector<128xi32>
      %add3A_261 = arith.addi %add3A_260, %reduce_min3A_240 : vector<128xi32>
      %get3A_262 = arith.constant 0 : index
      %get3A_263 = arith.constant 0 : index
      %get3A_264 = arith.constant 0 : index
      %get3A_265 = vector.load %arg4[%get3A_262, %get3A_263, %get3A_264] : memref<1x1x128xi32, #tpu.memory_space<vmem>>, vector<1x1x128xi32>
      %get3A_266 = vector.shape_cast %get3A_265 : vector<1x1x128xi32> to vector<128xi32>
      %select_n3A_267 = arith.select %gt3A_246, %add3A_261, %get3A_266 : vector<128xi1>, vector<128xi32>
      %swap3A_268 = arith.constant 0 : index
      %swap3A_269 = arith.constant 0 : index
      %swap3A_270 = arith.constant 0 : index
      %swap3A_271 = vector.load %arg4[%swap3A_268, %swap3A_269, %swap3A_270] : memref<1x1x128xi32, #tpu.memory_space<vmem>>, vector<1x1x128xi32>
      %swap3A_272 = vector.shape_cast %swap3A_271 : vector<1x1x128xi32> to vector<128xi32>
      %swap3A_273 = vector.shape_cast %select_n3A_267 : vector<128xi32> to vector<1x1x128xi32>
      tpu.vector_store %arg4[%swap3A_268, %swap3A_269, %swap3A_270], %swap3A_273 {strides = array<i32>} : memref<1x1x128xi32, #tpu.memory_space<vmem>>, vector<1x1x128xi32>,
      %slice3A_274 = vector.extract_strided_slice %select_n3A {offsets = [0, 12288], sizes = [128, 2048], strides = [1, 1]} : vector<128x16384xf32> to vector<128x2048xf32>
      %reduce_max3A_275 = arith.constant dense<0xFF800000> : vector<128xf32>
      %reduce_max3A_276 = vector.multi_reduction <maximumf>, %slice3A_274, %reduce_max3A_275 [1] : vector<128x2048xf32> to vector<128xf32>
      %broadcast_in_dim3A_277 = vector.shape_cast %reduce_max3A_276 : vector<128xf32> to vector<128x1xf32>
      %eq3A_278 = vector.broadcast %broadcast_in_dim3A_277 : vector<128x1xf32> to vector<128x2048xf32>
      %eq3A_279 = arith.cmpf oeq, %slice3A_274, %eq3A_278 : vector<128x2048xf32>
      %jit3A_280 = arith.constant 1073741824 : i32
      %broadcast_in_dim3A_281 = vector.broadcast %jit3A_280 : i32 to vector<128x2048xi32>
      %select_n3A_282 = arith.select %eq3A_279, %iota3A, %broadcast_in_dim3A_281 : vector<128x2048xi1>, vector<128x2048xi32>
      %reduce_min3A_283 = arith.constant dense<2147483647> : vector<128xi32>
      %reduce_min3A_284 = vector.multi_reduction <minsi>, %select_n3A_282, %reduce_min3A_283 [1] : vector<128x2048xi32> to vector<128xi32>
      %get3A_285 = arith.constant 0 : index
      %get3A_286 = arith.constant 0 : index
      %get3A_287 = arith.constant 0 : index
      %get3A_288 = vector.load %arg3[%get3A_285, %get3A_286, %get3A_287] : memref<1x1x128xf32, #tpu.memory_space<vmem>>, vector<1x1x128xf32>
      %get3A_289 = vector.shape_cast %get3A_288 : vector<1x1x128xf32> to vector<128xf32>
      %gt3A_290 = arith.cmpf ogt, %reduce_max3A_276, %get3A_289 : vector<128xf32>
      %select_n3A_291 = arith.select %gt3A_290, %reduce_max3A_276, %get3A_289 : vector<128xi1>, vector<128xf32>
      %swap3A_292 = arith.constant 0 : index
      %swap3A_293 = arith.constant 0 : index
      %swap3A_294 = arith.constant 0 : index
      %swap3A_295 = vector.load %arg3[%swap3A_292, %swap3A_293, %swap3A_294] : memref<1x1x128xf32, #tpu.memory_space<vmem>>, vector<1x1x128xf32>
      %swap3A_296 = vector.shape_cast %swap3A_295 : vector<1x1x128xf32> to vector<128xf32>
      %swap3A_297 = vector.shape_cast %select_n3A_291 : vector<128xf32> to vector<1x1x128xf32>
      tpu.vector_store %arg3[%swap3A_292, %swap3A_293, %swap3A_294], %swap3A_297 {strides = array<i32>} : memref<1x1x128xf32, #tpu.memory_space<vmem>>, vector<1x1x128xf32>,
      %mul3A_298 = arith.constant 8 : i32
      %mul3A_299 = arith.muli %arg1, %mul3A_298 : i32
      %add3A_300 = arith.constant 6 : i32
      %add3A_301 = arith.addi %mul3A_299, %add3A_300 : i32
      %mul3A_302 = arith.constant 2048 : i32
      %mul3A_303 = arith.muli %add3A_301, %mul3A_302 : i32
      %add3A_304 = vector.broadcast %mul3A_303 : i32 to vector<128xi32>
      %add3A_305 = arith.addi %add3A_304, %reduce_min3A_284 : vector<128xi32>
      %get3A_306 = arith.constant 0 : index
      %get3A_307 = arith.constant 0 : index
      %get3A_308 = arith.constant 0 : index
      %get3A_309 = vector.load %arg4[%get3A_306, %get3A_307, %get3A_308] : memref<1x1x128xi32, #tpu.memory_space<vmem>>, vector<1x1x128xi32>
      %get3A_310 = vector.shape_cast %get3A_309 : vector<1x1x128xi32> to vector<128xi32>
      %select_n3A_311 = arith.select %gt3A_290, %add3A_305, %get3A_310 : vector<128xi1>, vector<128xi32>
      %swap3A_312 = arith.constant 0 : index
      %swap3A_313 = arith.constant 0 : index
      %swap3A_314 = arith.constant 0 : index
      %swap3A_315 = vector.load %arg4[%swap3A_312, %swap3A_313, %swap3A_314] : memref<1x1x128xi32, #tpu.memory_space<vmem>>, vector<1x1x128xi32>
      %swap3A_316 = vector.shape_cast %swap3A_315 : vector<1x1x128xi32> to vector<128xi32>
      %swap3A_317 = vector.shape_cast %select_n3A_311 : vector<128xi32> to vector<1x1x128xi32>
      tpu.vector_store %arg4[%swap3A_312, %swap3A_313, %swap3A_314], %swap3A_317 {strides = array<i32>} : memref<1x1x128xi32, #tpu.memory_space<vmem>>, vector<1x1x128xi32>,
      %slice3A_318 = vector.extract_strided_slice %select_n3A {offsets = [0, 14336], sizes = [128, 2048], strides = [1, 1]} : vector<128x16384xf32> to vector<128x2048xf32>
      %reduce_max3A_319 = arith.constant dense<0xFF800000> : vector<128xf32>
      %reduce_max3A_320 = vector.multi_reduction <maximumf>, %slice3A_318, %reduce_max3A_319 [1] : vector<128x2048xf32> to vector<128xf32>
      %broadcast_in_dim3A_321 = vector.shape_cast %reduce_max3A_320 : vector<128xf32> to vector<128x1xf32>
      %eq3A_322 = vector.broadcast %broadcast_in_dim3A_321 : vector<128x1xf32> to vector<128x2048xf32>
      %eq3A_323 = arith.cmpf oeq, %slice3A_318, %eq3A_322 : vector<128x2048xf32>
      %jit3A_324 = arith.constant 1073741824 : i32
      %broadcast_in_dim3A_325 = vector.broadcast %jit3A_324 : i32 to vector<128x2048xi32>
      %select_n3A_326 = arith.select %eq3A_323, %iota3A, %broadcast_in_dim3A_325 : vector<128x2048xi1>, vector<128x2048xi32>
      %reduce_min3A_327 = arith.constant dense<2147483647> : vector<128xi32>
      %reduce_min3A_328 = vector.multi_reduction <minsi>, %select_n3A_326, %reduce_min3A_327 [1] : vector<128x2048xi32> to vector<128xi32>
      %get3A_329 = arith.constant 0 : index
      %get3A_330 = arith.constant 0 : index
      %get3A_331 = arith.constant 0 : index
      %get3A_332 = vector.load %arg3[%get3A_329, %get3A_330, %get3A_331] : memref<1x1x128xf32, #tpu.memory_space<vmem>>, vector<1x1x128xf32>
      %get3A_333 = vector.shape_cast %get3A_332 : vector<1x1x128xf32> to vector<128xf32>
      %gt3A_334 = arith.cmpf ogt, %reduce_max3A_320, %get3A_333 : vector<128xf32>
      %select_n3A_335 = arith.select %gt3A_334, %reduce_max3A_320, %get3A_333 : vector<128xi1>, vector<128xf32>
      %swap3A_336 = arith.constant 0 : index
      %swap3A_337 = arith.constant 0 : index
      %swap3A_338 = arith.constant 0 : index
      %swap3A_339 = vector.load %arg3[%swap3A_336, %swap3A_337, %swap3A_338] : memref<1x1x128xf32, #tpu.memory_space<vmem>>, vector<1x1x128xf32>
      %swap3A_340 = vector.shape_cast %swap3A_339 : vector<1x1x128xf32> to vector<128xf32>
      %swap3A_341 = vector.shape_cast %select_n3A_335 : vector<128xf32> to vector<1x1x128xf32>
      tpu.vector_store %arg3[%swap3A_336, %swap3A_337, %swap3A_338], %swap3A_341 {strides = array<i32>} : memref<1x1x128xf32, #tpu.memory_space<vmem>>, vector<1x1x128xf32>,
      %mul3A_342 = arith.constant 8 : i32
      %mul3A_343 = arith.muli %arg1, %mul3A_342 : i32
      %add3A_344 = arith.constant 7 : i32
      %add3A_345 = arith.addi %mul3A_343, %add3A_344 : i32
      %mul3A_346 = arith.constant 2048 : i32
      %mul3A_347 = arith.muli %add3A_345, %mul3A_346 : i32
      %add3A_348 = vector.broadcast %mul3A_347 : i32 to vector<128xi32>
      %add3A_349 = arith.addi %add3A_348, %reduce_min3A_328 : vector<128xi32>
      %get3A_350 = arith.constant 0 : index
      %get3A_351 = arith.constant 0 : index
      %get3A_352 = arith.constant 0 : index
      %get3A_353 = vector.load %arg4[%get3A_350, %get3A_351, %get3A_352] : memref<1x1x128xi32, #tpu.memory_space<vmem>>, vector<1x1x128xi32>
      %get3A_354 = vector.shape_cast %get3A_353 : vector<1x1x128xi32> to vector<128xi32>
      %select_n3A_355 = arith.select %gt3A_334, %add3A_349, %get3A_354 : vector<128xi1>, vector<128xi32>
      %swap3A_356 = arith.constant 0 : index
      %swap3A_357 = arith.constant 0 : index
      %swap3A_358 = arith.constant 0 : index
      %swap3A_359 = vector.load %arg4[%swap3A_356, %swap3A_357, %swap3A_358] : memref<1x1x128xi32, #tpu.memory_space<vmem>>, vector<1x1x128xi32>
      %swap3A_360 = vector.shape_cast %swap3A_359 : vector<1x1x128xi32> to vector<128xi32>
      %swap3A_361 = vector.shape_cast %select_n3A_355 : vector<128xi32> to vector<1x1x128xi32>
      tpu.vector_store %arg4[%swap3A_356, %swap3A_357, %swap3A_358], %swap3A_361 {strides = array<i32>} : memref<1x1x128xi32, #tpu.memory_space<vmem>>, vector<1x1x128xi32>,
    } else {
    }
    return
  }
  func.func @transform_0(%arg0: i32, %arg1: i32) -> (i32, i32) {
    %c0_i32 = arith.constant 0 : i32
    return %arg0, %arg1 : i32, i32
  }
  func.func @transform_1(%arg0: i32, %arg1: i32) -> (i32, i32, i32) {
    %c0_i32 = arith.constant 0 : i32
    %c0_i32_0 = arith.constant 0 : i32
    %c0_i32_1 = arith.constant 0 : i32
    return %arg0, %c0_i32, %c0_i32_0 : i32, i32, i32
  }
  func.func @transform_2(%arg0: i32, %arg1: i32) -> (i32, i32, i32) {
    %c0_i32 = arith.constant 0 : i32
    %c0_i32_0 = arith.constant 0 : i32
    %c0_i32_1 = arith.constant 0 : i32
    return %arg0, %c0_i32, %c0_i32_0 : i32, i32, i32
  }
}

module attributes {stable_mosaic.version = 14 : i64} {
  func.func @_stage4_body(%arg0: i32, %arg1: memref<128x200xf32, #tpu.memory_space<vmem>>, %arg2: memref<128x200xi32, #tpu.memory_space<vmem>>, %arg3: memref<128x200xf32, #tpu.memory_space<vmem>>, %arg4: memref<1x1x128xf32, #tpu.memory_space<vmem>>, %arg5: memref<1x1x128xi32, #tpu.memory_space<vmem>>, %arg6: memref<1x1x128xf32, #tpu.memory_space<vmem>>, %arg7: memref<1x1x128xi32, #tpu.memory_space<vmem>>, %arg8: memref<1x1x128xf32, #tpu.memory_space<vmem>>, %arg9: memref<1x1xf32, #tpu.memory_space<smem>>, %arg10: memref<1x1x128xi32, #tpu.memory_space<vmem>>, %arg11: memref<1x1xi32, #tpu.memory_space<smem>>, %arg12: memref<1x1xi32, #tpu.memory_space<smem>>) attributes {dimension_semantics = [#tpu.dimension_semantics<arbitrary>], iteration_bounds = array<i64: 8>, scalar_prefetch = 0 : i64, scratch_operands = 0 : i64, tpu.core_type = #tpu.core_type<tc>, window_params = [{transform_indices = @transform_0, window_bounds = array<i64: 128, 200>}, {transform_indices = @transform_1, window_bounds = array<i64: 128, 200>}, {transform_indices = @transform_2, window_bounds = array<i64: 128, 200>}, {transform_indices = @transform_3, window_bounds = array<i64: 1, 1, 128>}, {transform_indices = @transform_4, window_bounds = array<i64: 1, 1, 128>}, {transform_indices = @transform_5, window_bounds = array<i64: 1, 1, 128>}, {transform_indices = @transform_6, window_bounds = array<i64: 1, 1, 128>}, {transform_indices = @transform_7, window_bounds = array<i64: 1, 1, 128>}, {transform_indices = @transform_8, window_bounds = array<i64: 1, 1>}, {transform_indices = @transform_9, window_bounds = array<i64: 1, 1, 128>}, {transform_indices = @transform_10, window_bounds = array<i64: 1, 1>}, {transform_indices = @transform_11, window_bounds = array<i64: 1, 1>}]} {
    %get3A = arith.constant 0 : index
    %get3A_0 = arith.constant 0 : index
    %get3A_1 = vector.load %arg1[%get3A, %get3A_0] : memref<128x200xf32, #tpu.memory_space<vmem>>, vector<128x200xf32>
    %get3A_2 = arith.constant 0 : index
    %get3A_3 = arith.constant 0 : index
    %get3A_4 = vector.load %arg2[%get3A_2, %get3A_3] : memref<128x200xi32, #tpu.memory_space<vmem>>, vector<128x200xi32>
    %get3A_5 = arith.constant 0 : index
    %get3A_6 = arith.constant 0 : index
    %get3A_7 = vector.load %arg3[%get3A_5, %get3A_6] : memref<128x200xf32, #tpu.memory_space<vmem>>, vector<128x200xf32>
    %get3A_8 = arith.constant 0 : index
    %get3A_9 = arith.constant 0 : index
    %get3A_10 = arith.constant 0 : index
    %get3A_11 = vector.load %arg4[%get3A_8, %get3A_9, %get3A_10] : memref<1x1x128xf32, #tpu.memory_space<vmem>>, vector<1x1x128xf32>
    %get3A_12 = vector.shape_cast %get3A_11 : vector<1x1x128xf32> to vector<128xf32>
    %get3A_13 = arith.constant 0 : index
    %get3A_14 = arith.constant 0 : index
    %get3A_15 = arith.constant 0 : index
    %get3A_16 = vector.load %arg5[%get3A_13, %get3A_14, %get3A_15] : memref<1x1x128xi32, #tpu.memory_space<vmem>>, vector<1x1x128xi32>
    %get3A_17 = vector.shape_cast %get3A_16 : vector<1x1x128xi32> to vector<128xi32>
    %get3A_18 = arith.constant 0 : index
    %get3A_19 = arith.constant 0 : index
    %get3A_20 = arith.constant 0 : index
    %get3A_21 = vector.load %arg6[%get3A_18, %get3A_19, %get3A_20] : memref<1x1x128xf32, #tpu.memory_space<vmem>>, vector<1x1x128xf32>
    %get3A_22 = vector.shape_cast %get3A_21 : vector<1x1x128xf32> to vector<128xf32>
    %get3A_23 = arith.constant 0 : index
    %get3A_24 = arith.constant 0 : index
    %get3A_25 = arith.constant 0 : index
    %get3A_26 = vector.load %arg7[%get3A_23, %get3A_24, %get3A_25] : memref<1x1x128xi32, #tpu.memory_space<vmem>>, vector<1x1x128xi32>
    %get3A_27 = vector.shape_cast %get3A_26 : vector<1x1x128xi32> to vector<128xi32>
    %get3A_28 = arith.constant 0 : index
    %get3A_29 = arith.constant 0 : index
    %get3A_30 = arith.constant 0 : index
    %get3A_31 = vector.load %arg8[%get3A_28, %get3A_29, %get3A_30] : memref<1x1x128xf32, #tpu.memory_space<vmem>>, vector<1x1x128xf32>
    %get3A_32 = vector.shape_cast %get3A_31 : vector<1x1x128xf32> to vector<128xf32>
    %broadcast_in_dim3A = arith.constant 0.000000e+00 : f32
    %broadcast_in_dim3A_33 = vector.broadcast %broadcast_in_dim3A : f32 to vector<128x200xf32>
    %slice3A = vector.extract_strided_slice %get3A_4 {offsets = [0, 0], sizes = [128, 40], strides = [1, 1]} : vector<128x200xi32> to vector<128x40xi32>
    %slice3A_34 = vector.extract_strided_slice %get3A_1 {offsets = [0, 0], sizes = [128, 40], strides = [1, 1]} : vector<128x200xf32> to vector<128x40xf32>
    %broadcast_in_dim3A_35 = vector.shape_cast %slice3A : vector<128x40xi32> to vector<128x40x1xi32>
    %broadcast_in_dim3A_36 = vector.shape_cast %get3A_4 : vector<128x200xi32> to vector<128x1x200xi32>
    %eq3A = vector.broadcast %broadcast_in_dim3A_35 : vector<128x40x1xi32> to vector<128x40x200xi32>
    %eq3A_37 = vector.broadcast %broadcast_in_dim3A_36 : vector<128x1x200xi32> to vector<128x40x200xi32>
    %eq3A_38 = arith.cmpi eq, %eq3A, %eq3A_37 : vector<128x40x200xi32>
    %broadcast_in_dim3A_39 = vector.shape_cast %slice3A_34 : vector<128x40xf32> to vector<128x40x1xf32>
    %jit3A = arith.constant 0.000000e+00 : f32
    %broadcast_in_dim3A_40 = vector.shape_cast %broadcast_in_dim3A_39 : vector<128x40x1xf32> to vector<128x40x1xf32>
    %broadcast_in_dim3A_41 = vector.broadcast %broadcast_in_dim3A_40 : vector<128x40x1xf32> to vector<128x40x200xf32>
    %broadcast_in_dim3A_42 = vector.broadcast %jit3A : f32 to vector<128x40x200xf32>
    %select_n3A = arith.select %eq3A_38, %broadcast_in_dim3A_41, %broadcast_in_dim3A_42 : vector<128x40x200xi1>, vector<128x40x200xf32>
    %reduce_sum3A = arith.constant dense<0.000000e+00> : vector<128x200xf32>
    %reduce_sum3A_43 = vector.multi_reduction <add>, %select_n3A, %reduce_sum3A [1] : vector<128x40x200xf32> to vector<128x200xf32>
    %add3A = arith.addf %broadcast_in_dim3A_33, %reduce_sum3A_43 : vector<128x200xf32>
    %slice3A_44 = vector.extract_strided_slice %get3A_4 {offsets = [0, 40], sizes = [128, 40], strides = [1, 1]} : vector<128x200xi32> to vector<128x40xi32>
    %slice3A_45 = vector.extract_strided_slice %get3A_1 {offsets = [0, 40], sizes = [128, 40], strides = [1, 1]} : vector<128x200xf32> to vector<128x40xf32>
    %broadcast_in_dim3A_46 = vector.shape_cast %slice3A_44 : vector<128x40xi32> to vector<128x40x1xi32>
    %broadcast_in_dim3A_47 = vector.shape_cast %get3A_4 : vector<128x200xi32> to vector<128x1x200xi32>
    %eq3A_48 = vector.broadcast %broadcast_in_dim3A_46 : vector<128x40x1xi32> to vector<128x40x200xi32>
    %eq3A_49 = vector.broadcast %broadcast_in_dim3A_47 : vector<128x1x200xi32> to vector<128x40x200xi32>
    %eq3A_50 = arith.cmpi eq, %eq3A_48, %eq3A_49 : vector<128x40x200xi32>
    %broadcast_in_dim3A_51 = vector.shape_cast %slice3A_45 : vector<128x40xf32> to vector<128x40x1xf32>
    %jit3A_52 = arith.constant 0.000000e+00 : f32
    %broadcast_in_dim3A_53 = vector.shape_cast %broadcast_in_dim3A_51 : vector<128x40x1xf32> to vector<128x40x1xf32>
    %broadcast_in_dim3A_54 = vector.broadcast %broadcast_in_dim3A_53 : vector<128x40x1xf32> to vector<128x40x200xf32>
    %broadcast_in_dim3A_55 = vector.broadcast %jit3A_52 : f32 to vector<128x40x200xf32>
    %select_n3A_56 = arith.select %eq3A_50, %broadcast_in_dim3A_54, %broadcast_in_dim3A_55 : vector<128x40x200xi1>, vector<128x40x200xf32>
    %reduce_sum3A_57 = arith.constant dense<0.000000e+00> : vector<128x200xf32>
    %reduce_sum3A_58 = vector.multi_reduction <add>, %select_n3A_56, %reduce_sum3A_57 [1] : vector<128x40x200xf32> to vector<128x200xf32>
    %add3A_59 = arith.addf %add3A, %reduce_sum3A_58 : vector<128x200xf32>
    %slice3A_60 = vector.extract_strided_slice %get3A_4 {offsets = [0, 80], sizes = [128, 40], strides = [1, 1]} : vector<128x200xi32> to vector<128x40xi32>
    %slice3A_61 = vector.extract_strided_slice %get3A_1 {offsets = [0, 80], sizes = [128, 40], strides = [1, 1]} : vector<128x200xf32> to vector<128x40xf32>
    %broadcast_in_dim3A_62 = vector.shape_cast %slice3A_60 : vector<128x40xi32> to vector<128x40x1xi32>
    %broadcast_in_dim3A_63 = vector.shape_cast %get3A_4 : vector<128x200xi32> to vector<128x1x200xi32>
    %eq3A_64 = vector.broadcast %broadcast_in_dim3A_62 : vector<128x40x1xi32> to vector<128x40x200xi32>
    %eq3A_65 = vector.broadcast %broadcast_in_dim3A_63 : vector<128x1x200xi32> to vector<128x40x200xi32>
    %eq3A_66 = arith.cmpi eq, %eq3A_64, %eq3A_65 : vector<128x40x200xi32>
    %broadcast_in_dim3A_67 = vector.shape_cast %slice3A_61 : vector<128x40xf32> to vector<128x40x1xf32>
    %jit3A_68 = arith.constant 0.000000e+00 : f32
    %broadcast_in_dim3A_69 = vector.shape_cast %broadcast_in_dim3A_67 : vector<128x40x1xf32> to vector<128x40x1xf32>
    %broadcast_in_dim3A_70 = vector.broadcast %broadcast_in_dim3A_69 : vector<128x40x1xf32> to vector<128x40x200xf32>
    %broadcast_in_dim3A_71 = vector.broadcast %jit3A_68 : f32 to vector<128x40x200xf32>
    %select_n3A_72 = arith.select %eq3A_66, %broadcast_in_dim3A_70, %broadcast_in_dim3A_71 : vector<128x40x200xi1>, vector<128x40x200xf32>
    %reduce_sum3A_73 = arith.constant dense<0.000000e+00> : vector<128x200xf32>
    %reduce_sum3A_74 = vector.multi_reduction <add>, %select_n3A_72, %reduce_sum3A_73 [1] : vector<128x40x200xf32> to vector<128x200xf32>
    %add3A_75 = arith.addf %add3A_59, %reduce_sum3A_74 : vector<128x200xf32>
    %slice3A_76 = vector.extract_strided_slice %get3A_4 {offsets = [0, 120], sizes = [128, 40], strides = [1, 1]} : vector<128x200xi32> to vector<128x40xi32>
    %slice3A_77 = vector.extract_strided_slice %get3A_1 {offsets = [0, 120], sizes = [128, 40], strides = [1, 1]} : vector<128x200xf32> to vector<128x40xf32>
    %broadcast_in_dim3A_78 = vector.shape_cast %slice3A_76 : vector<128x40xi32> to vector<128x40x1xi32>
    %broadcast_in_dim3A_79 = vector.shape_cast %get3A_4 : vector<128x200xi32> to vector<128x1x200xi32>
    %eq3A_80 = vector.broadcast %broadcast_in_dim3A_78 : vector<128x40x1xi32> to vector<128x40x200xi32>
    %eq3A_81 = vector.broadcast %broadcast_in_dim3A_79 : vector<128x1x200xi32> to vector<128x40x200xi32>
    %eq3A_82 = arith.cmpi eq, %eq3A_80, %eq3A_81 : vector<128x40x200xi32>
    %broadcast_in_dim3A_83 = vector.shape_cast %slice3A_77 : vector<128x40xf32> to vector<128x40x1xf32>
    %jit3A_84 = arith.constant 0.000000e+00 : f32
    %broadcast_in_dim3A_85 = vector.shape_cast %broadcast_in_dim3A_83 : vector<128x40x1xf32> to vector<128x40x1xf32>
    %broadcast_in_dim3A_86 = vector.broadcast %broadcast_in_dim3A_85 : vector<128x40x1xf32> to vector<128x40x200xf32>
    %broadcast_in_dim3A_87 = vector.broadcast %jit3A_84 : f32 to vector<128x40x200xf32>
    %select_n3A_88 = arith.select %eq3A_82, %broadcast_in_dim3A_86, %broadcast_in_dim3A_87 : vector<128x40x200xi1>, vector<128x40x200xf32>
    %reduce_sum3A_89 = arith.constant dense<0.000000e+00> : vector<128x200xf32>
    %reduce_sum3A_90 = vector.multi_reduction <add>, %select_n3A_88, %reduce_sum3A_89 [1] : vector<128x40x200xf32> to vector<128x200xf32>
    %add3A_91 = arith.addf %add3A_75, %reduce_sum3A_90 : vector<128x200xf32>
    %slice3A_92 = vector.extract_strided_slice %get3A_4 {offsets = [0, 160], sizes = [128, 40], strides = [1, 1]} : vector<128x200xi32> to vector<128x40xi32>
    %slice3A_93 = vector.extract_strided_slice %get3A_1 {offsets = [0, 160], sizes = [128, 40], strides = [1, 1]} : vector<128x200xf32> to vector<128x40xf32>
    %broadcast_in_dim3A_94 = vector.shape_cast %slice3A_92 : vector<128x40xi32> to vector<128x40x1xi32>
    %broadcast_in_dim3A_95 = vector.shape_cast %get3A_4 : vector<128x200xi32> to vector<128x1x200xi32>
    %eq3A_96 = vector.broadcast %broadcast_in_dim3A_94 : vector<128x40x1xi32> to vector<128x40x200xi32>
    %eq3A_97 = vector.broadcast %broadcast_in_dim3A_95 : vector<128x1x200xi32> to vector<128x40x200xi32>
    %eq3A_98 = arith.cmpi eq, %eq3A_96, %eq3A_97 : vector<128x40x200xi32>
    %broadcast_in_dim3A_99 = vector.shape_cast %slice3A_93 : vector<128x40xf32> to vector<128x40x1xf32>
    %jit3A_100 = arith.constant 0.000000e+00 : f32
    %broadcast_in_dim3A_101 = vector.shape_cast %broadcast_in_dim3A_99 : vector<128x40x1xf32> to vector<128x40x1xf32>
    %broadcast_in_dim3A_102 = vector.broadcast %broadcast_in_dim3A_101 : vector<128x40x1xf32> to vector<128x40x200xf32>
    %broadcast_in_dim3A_103 = vector.broadcast %jit3A_100 : f32 to vector<128x40x200xf32>
    %select_n3A_104 = arith.select %eq3A_98, %broadcast_in_dim3A_102, %broadcast_in_dim3A_103 : vector<128x40x200xi1>, vector<128x40x200xf32>
    %reduce_sum3A_105 = arith.constant dense<0.000000e+00> : vector<128x200xf32>
    %reduce_sum3A_106 = vector.multi_reduction <add>, %select_n3A_104, %reduce_sum3A_105 [1] : vector<128x40x200xf32> to vector<128x200xf32>
    %add3A_107 = arith.addf %add3A_91, %reduce_sum3A_106 : vector<128x200xf32>
    %sub3A = arith.constant 1.000000e+00 : f32
    %sub3A_108 = vector.broadcast %sub3A : f32 to vector<128xf32>
    %sub3A_109 = arith.subf %sub3A_108, %get3A_12 : vector<128xf32>
    %broadcast_in_dim3A_110 = vector.shape_cast %sub3A_109 : vector<128xf32> to vector<128x1xf32>
    %mul3A = vector.broadcast %broadcast_in_dim3A_110 : vector<128x1xf32> to vector<128x200xf32>
    %mul3A_111 = arith.mulf %mul3A, %get3A_7 : vector<128x200xf32>
    %broadcast_in_dim3A_112 = vector.shape_cast %get3A_12 : vector<128xf32> to vector<128x1xf32>
    %mul3A_113 = vector.broadcast %broadcast_in_dim3A_112 : vector<128x1xf32> to vector<128x200xf32>
    %mul3A_114 = arith.mulf %mul3A_113, %add3A_107 : vector<128x200xf32>
    %add3A_115 = arith.addf %mul3A_111, %mul3A_114 : vector<128x200xf32>
    %mul3A_116 = arith.mulf %sub3A_109, %get3A_22 : vector<128xf32>
    %reduce_max3A = arith.constant dense<0xFF800000> : vector<128xf32>
    %reduce_max3A_117 = vector.multi_reduction <maximumf>, %add3A_115, %reduce_max3A [1] : vector<128x200xf32> to vector<128xf32>
    %broadcast_in_dim3A_118 = vector.shape_cast %reduce_max3A_117 : vector<128xf32> to vector<128x1xf32>
    %eq3A_119 = vector.broadcast %broadcast_in_dim3A_118 : vector<128x1xf32> to vector<128x200xf32>
    %eq3A_120 = arith.cmpf oeq, %add3A_115, %eq3A_119 : vector<128x200xf32>
    %jit3A_121 = arith.constant 1073741824 : i32
    %broadcast_in_dim3A_122 = vector.broadcast %jit3A_121 : i32 to vector<128x200xi32>
    %select_n3A_123 = arith.select %eq3A_120, %get3A_4, %broadcast_in_dim3A_122 : vector<128x200xi1>, vector<128x200xi32>
    %reduce_min3A = arith.constant dense<2147483647> : vector<128xi32>
    %reduce_min3A_124 = vector.multi_reduction <minsi>, %select_n3A_123, %reduce_min3A [1] : vector<128x200xi32> to vector<128xi32>
    %gt3A = arith.cmpf ogt, %reduce_max3A_117, %mul3A_116 : vector<128xf32>
    %eq3A_125 = arith.cmpf oeq, %reduce_max3A_117, %mul3A_116 : vector<128xf32>
    %min3A = arith.minsi %reduce_min3A_124, %get3A_27 : vector<128xi32>
    %select_n3A_126 = arith.select %eq3A_125, %min3A, %get3A_27 : vector<128xi1>, vector<128xi32>
    %select_n3A_127 = arith.select %gt3A, %reduce_min3A_124, %select_n3A_126 : vector<128xi1>, vector<128xi32>
    %swap3A = arith.constant 0 : index
    %swap3A_128 = arith.constant 0 : index
    %swap3A_129 = arith.constant 0 : index
    %swap3A_130 = vector.load %arg10[%swap3A, %swap3A_128, %swap3A_129] : memref<1x1x128xi32, #tpu.memory_space<vmem>>, vector<1x1x128xi32>
    %swap3A_131 = vector.shape_cast %swap3A_130 : vector<1x1x128xi32> to vector<128xi32>
    %swap3A_132 = vector.shape_cast %select_n3A_127 : vector<128xi32> to vector<1x1x128xi32>
    tpu.vector_store %arg10[%swap3A, %swap3A_128, %swap3A_129], %swap3A_132 {strides = array<i32>} : memref<1x1x128xi32, #tpu.memory_space<vmem>>, vector<1x1x128xi32>,
    %broadcast_in_dim3A_133 = vector.shape_cast %get3A_17 : vector<128xi32> to vector<128x1xi32>
    %eq3A_134 = vector.broadcast %broadcast_in_dim3A_133 : vector<128x1xi32> to vector<128x200xi32>
    %eq3A_135 = arith.cmpi eq, %get3A_4, %eq3A_134 : vector<128x200xi32>
    %jit3A_136 = arith.constant 0.000000e+00 : f32
    %broadcast_in_dim3A_137 = vector.broadcast %jit3A_136 : f32 to vector<128x200xf32>
    %select_n3A_138 = arith.select %eq3A_135, %get3A_1, %broadcast_in_dim3A_137 : vector<128x200xi1>, vector<128x200xf32>
    %reduce_sum3A_139 = arith.constant dense<0.000000e+00> : vector<128xf32>
    %reduce_sum3A_140 = vector.multi_reduction <add>, %select_n3A_138, %reduce_sum3A_139 [1] : vector<128x200xf32> to vector<128xf32>
    %mul3A_141 = arith.mulf %sub3A_109, %get3A_32 : vector<128xf32>
    %mul3A_142 = arith.mulf %get3A_12, %reduce_sum3A_140 : vector<128xf32>
    %add3A_143 = arith.addf %mul3A_141, %mul3A_142 : vector<128xf32>
    %ne3A = arith.constant 0 : i32
    %ne3A_144 = vector.broadcast %ne3A : i32 to vector<128xi32>
    %ne3A_145 = arith.cmpi ne, %get3A_17, %ne3A_144 : vector<128xi32>
    %convert_element_type3A = arith.extui %ne3A_145 : vector<128xi1> to vector<128xi32>
    %convert_element_type3A_146 = arith.sitofp %convert_element_type3A : vector<128xi32> to vector<128xf32>
    %add3A_147 = arith.constant 9.99999996E-13 : f32
    %add3A_148 = vector.broadcast %add3A_147 : f32 to vector<128xf32>
    %add3A_149 = arith.addf %add3A_143, %add3A_148 : vector<128xf32>
    %log3A = math.log %add3A_149 : vector<128xf32>
    %mul3A_150 = arith.mulf %log3A, %convert_element_type3A_146 : vector<128xf32>
    %reduce_sum3A_151 = vector.shape_cast %mul3A_150 : vector<128xf32> to vector<1x128xf32>
    %reduce_sum3A_152 = arith.constant dense<0.000000e+00> : vector<1xf32>
    %reduce_sum3A_153 = vector.multi_reduction <add>, %reduce_sum3A_151, %reduce_sum3A_152 [1] : vector<1x128xf32> to vector<1xf32>
    %reduce_sum3A_154 = vector.shape_cast %reduce_sum3A_153 : vector<1xf32> to vector<1x1xf32>
    %reduce_sum3A_155 = vector.extract %reduce_sum3A_154[0, 0] : f32 from vector<1x1xf32>
    %mul3A_156 = arith.constant -9.765625E-4 : f32
    %mul3A_157 = arith.mulf %reduce_sum3A_155, %mul3A_156 : f32
    %convert_element_type3A_158 = arith.extui %ne3A_145 : vector<128xi1> to vector<128xi32>
    %reduce_sum3A_159 = vector.shape_cast %convert_element_type3A_158 : vector<128xi32> to vector<1x128xi32>
    %reduce_sum3A_160 = arith.constant dense<0> : vector<1xi32>
    %reduce_sum3A_161 = vector.multi_reduction <add>, %reduce_sum3A_159, %reduce_sum3A_160 [1] : vector<1x128xi32> to vector<1xi32>
    %reduce_sum3A_162 = vector.shape_cast %reduce_sum3A_161 : vector<1xi32> to vector<1x1xi32>
    %reduce_sum3A_163 = vector.extract %reduce_sum3A_162[0, 0] : i32 from vector<1x1xi32>
    %eq3A_164 = arith.cmpi eq, %select_n3A_127, %get3A_17 : vector<128xi32>
    %and3A = arith.andi %eq3A_164, %ne3A_145 : vector<128xi1>
    %convert_element_type3A_165 = arith.extui %and3A : vector<128xi1> to vector<128xi32>
    %reduce_sum3A_166 = vector.shape_cast %convert_element_type3A_165 : vector<128xi32> to vector<1x128xi32>
    %reduce_sum3A_167 = arith.constant dense<0> : vector<1xi32>
    %reduce_sum3A_168 = vector.multi_reduction <add>, %reduce_sum3A_166, %reduce_sum3A_167 [1] : vector<1x128xi32> to vector<1xi32>
    %reduce_sum3A_169 = vector.shape_cast %reduce_sum3A_168 : vector<1xi32> to vector<1x1xi32>
    %reduce_sum3A_170 = vector.extract %reduce_sum3A_169[0, 0] : i32 from vector<1x1xi32>
    %eq3A_171 = arith.constant 0 : i32
    %eq3A_172 = arith.cmpi eq, %arg0, %eq3A_171 : i32
    %convert_element_type3A_173 = arith.extui %eq3A_172 : i1 to i32
    %cond3A = arith.constant 0 : i32
    %cond3A_174 = arith.cmpi ne, %convert_element_type3A_173, %cond3A : i32
    scf.if %cond3A_174 {
      %swap3A_196 = arith.constant 0.000000e+00 : f32
      %swap3A_197 = arith.constant 0 : index
      %swap3A_198 = arith.constant 0 : index
      %swap3A_199 = memref.load %arg9[%swap3A_197, %swap3A_198] : memref<1x1xf32, #tpu.memory_space<smem>>
      memref.store %swap3A_196, %arg9[%swap3A_197, %swap3A_198] : memref<1x1xf32, #tpu.memory_space<smem>>
      %swap3A_200 = arith.constant 0 : i32
      %swap3A_201 = arith.constant 0 : index
      %swap3A_202 = arith.constant 0 : index
      %swap3A_203 = memref.load %arg11[%swap3A_201, %swap3A_202] : memref<1x1xi32, #tpu.memory_space<smem>>
      memref.store %swap3A_200, %arg11[%swap3A_201, %swap3A_202] : memref<1x1xi32, #tpu.memory_space<smem>>
      %swap3A_204 = arith.constant 0 : i32
      %swap3A_205 = arith.constant 0 : index
      %swap3A_206 = arith.constant 0 : index
      %swap3A_207 = memref.load %arg12[%swap3A_205, %swap3A_206] : memref<1x1xi32, #tpu.memory_space<smem>>
      memref.store %swap3A_204, %arg12[%swap3A_205, %swap3A_206] : memref<1x1xi32, #tpu.memory_space<smem>>
    } else {
    }
    %get3A_175 = arith.constant 0 : index
    %get3A_176 = arith.constant 0 : index
    %get3A_177 = memref.load %arg9[%get3A_175, %get3A_176] : memref<1x1xf32, #tpu.memory_space<smem>>
    %add3A_178 = arith.addf %get3A_177, %mul3A_157 : f32
    %swap3A_179 = arith.constant 0 : index
    %swap3A_180 = arith.constant 0 : index
    %swap3A_181 = memref.load %arg9[%swap3A_179, %swap3A_180] : memref<1x1xf32, #tpu.memory_space<smem>>
    memref.store %add3A_178, %arg9[%swap3A_179, %swap3A_180] : memref<1x1xf32, #tpu.memory_space<smem>>
    %get3A_182 = arith.constant 0 : index
    %get3A_183 = arith.constant 0 : index
    %get3A_184 = memref.load %arg11[%get3A_182, %get3A_183] : memref<1x1xi32, #tpu.memory_space<smem>>
    %add3A_185 = arith.addi %get3A_184, %reduce_sum3A_163 : i32
    %swap3A_186 = arith.constant 0 : index
    %swap3A_187 = arith.constant 0 : index
    %swap3A_188 = memref.load %arg11[%swap3A_186, %swap3A_187] : memref<1x1xi32, #tpu.memory_space<smem>>
    memref.store %add3A_185, %arg11[%swap3A_186, %swap3A_187] : memref<1x1xi32, #tpu.memory_space<smem>>
    %get3A_189 = arith.constant 0 : index
    %get3A_190 = arith.constant 0 : index
    %get3A_191 = memref.load %arg12[%get3A_189, %get3A_190] : memref<1x1xi32, #tpu.memory_space<smem>>
    %add3A_192 = arith.addi %get3A_191, %reduce_sum3A_170 : i32
    %swap3A_193 = arith.constant 0 : index
    %swap3A_194 = arith.constant 0 : index
    %swap3A_195 = memref.load %arg12[%swap3A_193, %swap3A_194] : memref<1x1xi32, #tpu.memory_space<smem>>
    memref.store %add3A_192, %arg12[%swap3A_193, %swap3A_194] : memref<1x1xi32, #tpu.memory_space<smem>>
    return
  }
  func.func @transform_0(%arg0: i32) -> (i32, i32) {
    %c0_i32 = arith.constant 0 : i32
    %c0_i32_0 = arith.constant 0 : i32
    return %arg0, %c0_i32 : i32, i32
  }
  func.func @transform_1(%arg0: i32) -> (i32, i32) {
    %c0_i32 = arith.constant 0 : i32
    %c0_i32_0 = arith.constant 0 : i32
    return %arg0, %c0_i32 : i32, i32
  }
  func.func @transform_2(%arg0: i32) -> (i32, i32) {
    %c0_i32 = arith.constant 0 : i32
    %c0_i32_0 = arith.constant 0 : i32
    return %arg0, %c0_i32 : i32, i32
  }
  func.func @transform_3(%arg0: i32) -> (i32, i32, i32) {
    %c0_i32 = arith.constant 0 : i32
    %c0_i32_0 = arith.constant 0 : i32
    %c0_i32_1 = arith.constant 0 : i32
    return %arg0, %c0_i32, %c0_i32_0 : i32, i32, i32
  }
  func.func @transform_4(%arg0: i32) -> (i32, i32, i32) {
    %c0_i32 = arith.constant 0 : i32
    %c0_i32_0 = arith.constant 0 : i32
    %c0_i32_1 = arith.constant 0 : i32
    return %arg0, %c0_i32, %c0_i32_0 : i32, i32, i32
  }
  func.func @transform_5(%arg0: i32) -> (i32, i32, i32) {
    %c0_i32 = arith.constant 0 : i32
    %c0_i32_0 = arith.constant 0 : i32
    %c0_i32_1 = arith.constant 0 : i32
    return %arg0, %c0_i32, %c0_i32_0 : i32, i32, i32
  }
  func.func @transform_6(%arg0: i32) -> (i32, i32, i32) {
    %c0_i32 = arith.constant 0 : i32
    %c0_i32_0 = arith.constant 0 : i32
    %c0_i32_1 = arith.constant 0 : i32
    return %arg0, %c0_i32, %c0_i32_0 : i32, i32, i32
  }
  func.func @transform_7(%arg0: i32) -> (i32, i32, i32) {
    %c0_i32 = arith.constant 0 : i32
    %c0_i32_0 = arith.constant 0 : i32
    %c0_i32_1 = arith.constant 0 : i32
    return %arg0, %c0_i32, %c0_i32_0 : i32, i32, i32
  }
  func.func @transform_8(%arg0: i32) -> (i32, i32) {
    %c0_i32 = arith.constant 0 : i32
    %c0_i32_0 = arith.constant 0 : i32
    %c0_i32_1 = arith.constant 0 : i32
    return %c0_i32, %c0_i32_0 : i32, i32
  }
  func.func @transform_9(%arg0: i32) -> (i32, i32, i32) {
    %c0_i32 = arith.constant 0 : i32
    %c0_i32_0 = arith.constant 0 : i32
    %c0_i32_1 = arith.constant 0 : i32
    return %arg0, %c0_i32, %c0_i32_0 : i32, i32, i32
  }
  func.func @transform_10(%arg0: i32) -> (i32, i32) {
    %c0_i32 = arith.constant 0 : i32
    %c0_i32_0 = arith.constant 0 : i32
    %c0_i32_1 = arith.constant 0 : i32
    return %c0_i32, %c0_i32_0 : i32, i32
  }
  func.func @transform_11(%arg0: i32) -> (i32, i32) {
    %c0_i32 = arith.constant 0 : i32
    %c0_i32_0 = arith.constant 0 : i32
    %c0_i32_1 = arith.constant 0 : i32
    return %c0_i32, %c0_i32_0 : i32, i32
  }
}

</mosaic_0001>

<sc_bundles>
// kernel: kernel.5.cloned.1.call-start
scs
__scs_entry_jumppad:
0x0: {  	(pc) =	sbr.rel $0x88, $3  }
0x1: {  	(tag) =	ssettag $0x0;
	lr =	simm.s32 $0x1  }
0x2: {  	[smem:$0x3F9C] =	sst lr;
	_ =	strace $0xD0000000  }
0x3: {  	_ = 	snop  }
0x4: {  	_ = 	snop  }
0x5: {  	_ = 	snop  }
0x6: {  	_ = 	snop  }
0x7: {  	_ = 	snop  }
__scs_overlays_trampoline_lowered:
0x8: {  	[smem:$0x3FAB] =	sst s0  }
0x9: {  	[smem:$0x3FAC] =	sst s1  }
0xa: {  	[smem:$0x3FAD] =	sst s2  }
0xb: {  	[smem:$0x3FAE] =	sst s3  }
0xc: {  	[smem:$0x3FAF] =	sst s4  }
0xd: {  	[smem:$0x3FB0] =	sst s5  }
0xe: {  	[smem:$0x3FB1] =	sst s6  }
0xf: {  	[smem:$0x3FB2] =	sst s7  }
0x10: {  	[smem:$0x3FB3] =	sst s8  }
0x11: {  	[smem:$0x3FB4] =	sst s9;
	s0 =	simm.s32 @!p0 $0x0  }
0x12: {  	s1 =	sld [smem:$0x3F9A];
	s0 =	simm.s32 @p0 $0x1  }
0x13: {  	[smem:$0x3FB5] =	sst s0;
	s0 =	simm.s32 @!p1 $0x0  }
0x14: {  	s2 =	sld [smem:$0x3F99];
	s0 =	simm.s32 @p1 $0x1  }
0x15: {  	[smem:$0x3FB6] =	sst s0;
	s0 =	simm.s32 @!p2 $0x0  }
0x16: {  	s3 =	sld [smem:$0x3FDB];
	s0 =	simm.s32 @p2 $0x1  }
0x17: {  	s4 =	simm.s32 $0x1BF5;
	[smem:$0x3FB8] =	sst s0  }
0x18: {  	s0 =	sld [smem:$0x3F9B];
	_ =	swait.ge [sflag:s4], $0x0  }
0x19: {  	s7 =	sld [smem:$0x3F9C]  }
0x1a: {  	s8 =	sadd.s32 $0xFFFFE003, lr  }
0x1b: {  	s9 =	sadd.s32 $0xFFFFFEF7, lr;
	s5 =	simm.s32 $0xFFFFFFFF;
	p2 =	slt.u32 s8, $0xFFFFF086  }
0x1c: {  	p1 =	slt.u32 s9, $0xF7A;
	s5 =	simm.s32 @!p2 $0x0  }
0x1d: {  	s5 =	simm.s32 @p1 $0x1;
	p0 =	seq.s32 s7, s2  }
0x1e: {  	s7 =	smul.u32 @!p0 $0xF7A, s2;
	p2 =	seq.s32 @!p0 s5, $0x0  }
0x1f: {  	s9 =	smul.u32 $0xF7A, s1;
	s8 =	simm.s32 @!p0 $0x1BF5;
	p2 =	por !p2, p0  }
0x20: {  	[sflag:s8] =	ssyncset.s32 @!p0 $0xFFFFF086;
	s6 =	sadd.s32 @!p0 s3, s7;
	s7 =	simm.s32 @!p0 $0x108  }
0x21: {  	s3 =	sadd.s32 s3, s9;
	s6 =	sadd.s32 @!p0 $0x88, s6;
	s7 =	simm.s32 @p2 $0x1082  }
0x22: {  	[simem:s7], [sflag:s8] =	dma.local @!p0 [hbm:s6], $0xF7A  }
0x23: {  	s9 =	sor.u32 $0xD0000000, s2;
	s6 =	simm.s32 $0x108;
	_ =	swait.ge @!p0 [sflag:s8], $0x0  }
0x24: {  	s3 =	sadd.s32 $0x88, s3;
	s6 =	simm.s32 @!p1 $0x1082;
	[sflag:s4] =	ssyncset.s32 $0xFFFFF086  }
0x25: {  	[simem:s6], [sflag:s4] =	dma.local [hbm:s3], $0xF7A  }
0x26: {  	[smem:$0x3F9C] =	sst s1;
	(tag) =	ssettag s2;
	_ =	strace s9  }
0x27: {  	s1 =	sld [smem:$0x3FAC]  }
0x28: {  	s2 =	sld [smem:$0x3FAD]  }
0x29: {  	s4 =	sld [smem:$0x3FAF]  }
0x2a: {  	p0 =	seq.s32 s5, $0x0;
	s5 =	sld [smem:$0x3FB0]  }
0x2b: {  	s6 =	sld [smem:$0x3FB1]  }
0x2c: {  	s7 =	sld [smem:$0x3FB2]  }
0x2d: {  	s3 =	simm.s32 $0x108;
	s8 =	sld [smem:$0x3FB3]  }
0x2e: {  	s3 =	simm.s32 @!p0 $0x1082;
	s9 =	sld [smem:$0x3FB4]  }
0x2f: {  	lr =	sadd.s32 s0, s3;
	s0 =	sld [smem:$0x3FAB]  }
0x30: {  	s3 =	sld [smem:$0x3FAE]  }
0x31: {  	[smem:$0x3FB7] =	sst s10  }
0x32: {  	s10 =	sld [smem:$0x3FB5];
	_ =	sdelay $0x3  }
0x33: {  	p0 =	seq.s32 s10, $0x1;
	s10 =	sld [smem:$0x3FB7];
	_ =	sdelay $0x3  }
0x34: {  	[smem:$0x3FB7] =	sst s10  }
0x35: {  	s10 =	sld [smem:$0x3FB6];
	_ =	sdelay $0x3  }
0x36: {  	p1 =	seq.s32 s10, $0x1;
	s10 =	sld [smem:$0x3FB7];
	_ =	sdelay $0x3  }
0x37: {  	[smem:$0x3FB7] =	sst s10  }
0x38: {  	s10 =	sld [smem:$0x3FB8]  }
0x39: {  	_ = 	snop;
	(pc) =	sbr.ind lr, $3  }
0x3a: {  	_ = 	snop  }
0x3b: {  	_ = 	snop  }
0x3c: {  	p2 =	seq.s32 s10, $0x1;
	s10 =	sld [smem:$0x3FB7]  }
0x3d: {  	_ =	shalt  }
0x3e: {  	_ =	shalt  }
0x3f: {  	_ =	shalt  }
0x40: {  	_ =	shalt  }
0x41: {  	_ =	shalt  }
0x42: {  	_ =	shalt  }
0x43: {  	_ =	shalt  }
0x44: {  	_ =	shalt  }
0x45: {  	_ =	shalt  }
0x46: {  	_ =	shalt  }
0x47: {  	_ =	shalt  }
0x48: {  	_ =	shalt  }
0x49: {  	_ =	shalt  }
0x4a: {  	_ =	shalt  }
0x4b: {  	_ =	shalt  }
0x4c: {  	_ =	shalt  }
0x4d: {  	_ =	shalt  }
0x4e: {  	_ =	shalt  }
0x4f: {  	_ =	shalt  }
0x50: {  	_ =	shalt  }
0x51: {  	_ =	shalt  }
0x52: {  	_ =	shalt  }
0x53: {  	_ =	shalt  }
0x54: {  	_ =	shalt  }
0x55: {  	_ =	shalt  }
0x56: {  	_ =	shalt  }
0x57: {  	_ =	shalt  }
0x58: {  	_ =	shalt  }
0x59: {  	_ =	shalt  }
0x5a: {  	_ =	shalt  }
0x5b: {  	_ =	shalt  }
0x5c: {  	_ =	shalt  }
0x5d: {  	_ =	shalt  }
0x5e: {  	_ =	shalt  }
0x5f: {  	_ =	shalt  }
0x60: {  	_ =	shalt  }
0x61: {  	_ =	shalt  }
0x62: {  	_ =	shalt  }
0x63: {  	_ =	shalt  }
0x64: {  	_ =	shalt  }
0x65: {  	_ =	shalt  }
0x66: {  	_ =	shalt  }
0x67: {  	_ =	shalt  }
0x68: {  	_ =	shalt  }
0x69: {  	_ =	shalt  }
0x6a: {  	_ =	shalt  }
0x6b: {  	_ =	shalt  }
0x6c: {  	_ =	shalt  }
0x6d: {  	_ =	shalt  }
0x6e: {  	_ =	shalt  }
0x6f: {  	_ =	shalt  }
0x70: {  	_ =	shalt  }
0x71: {  	_ =	shalt  }
0x72: {  	_ =	shalt  }
0x73: {  	_ =	shalt  }
0x74: {  	_ =	shalt  }
0x75: {  	_ =	shalt  }
0x76: {  	_ =	shalt  }
0x77: {  	_ =	shalt  }
0x78: {  	_ =	shalt  }
0x79: {  	_ =	shalt  }
0x7a: {  	_ =	shalt  }
0x7b: {  	_ =	shalt  }
0x7c: {  	_ =	shalt  }
0x7d: {  	_ =	shalt  }
0x7e: {  	_ =	shalt  }
0x7f: {  	_ =	shalt  }
0x80: {  	_ =	shalt  }
0x81: {  	_ =	shalt  }
0x82: {  	_ =	shalt  }
0x83: {  	_ =	shalt  }
0x84: {  	_ =	shalt  }
0x85: {  	_ =	shalt  }
0x86: {  	_ =	shalt  }
0x87: {  	_ =	shalt  }
.Lfunc_end0:
.L_simem_size_0:
called_computation_lowered:
.L_overlay_start_0:
0x88: {  	s2 =	sld [smem:$0x3FD9]  }
0x89: {  	s3 =	sld [smem:$0x3FFE];
	_ =	sdelay $0x1  }
0x8a: {  	s1 =	srdreg.scid  }
0x8b: {  	s0 =	sand.u32 $0x1, s1  }
0x8c: {  	s16 =	sshll.u32 s0, $0xA;
	s2 =	sadd.s32 s3, s2  }
0x8d: {  	s2 =	sadd.s32 s2, s16  }
0x8e: {  	[smem:$0x3FC3] =	sst s2  }
0x8f: {  	_ = 	snop  }
0x90: {  	(tm) =	ssettm $0x1  }
0x91: {  	s17 =	sld [smem:$0x3FFB];
	_ =	sdelay $0x3  }
0x92: {  	_ =	strace s17  }
0x93: {  	s2 =	sld [smem:$0x3FFC];
	_ =	sdelay $0x3  }
0x94: {  	_ =	strace s2  }
0x95: {  	s2 =	sld [smem:$0x3FFD];
	_ =	sdelay $0x3  }
0x96: {  	_ =	strace s2  }
0x97: {  	_ =	strace $0x8FFFFFFF  }
0x98: {  	s18 =	sld [smem:$0x3FDB];
	_ =	sdelay $0x1  }
0x99: {  	s19 =	simm.s32 $_scs_section_size  }
0x9a: {  	s4 =	simm.s32 $_size__tile_overlayer_lowered;
	s5 =	simm.s32 $_tile_overlayer_lowered  }
0x9b: {  	s22 =	simm.s32 $0x1BFF;
	s21 =	sshll.u32 s5, $0x1;
	s2 =	sadd.s32 s19, s18  }
0x9c: {  	s6 =	simm.s32 $0x0;
	s20 =	sshll.u32 s4, $0x1;
	s4 =	sadd.s32 s21, s2  }
0x9d: {  	[timem:s6], [sflag:s22] =	dma.local [hbm:s4], s20  }
0x9e: {  	_ =	swait.ge [sflag:s22], s20  }
0x9f: {  	s3 =	ssub.s32 $0x0, s20;
	[sflag:s22] =	ssyncset.done $0x0  }
0xa0: {  	[sflag:s22] =	ssyncadd.s32 s3;
	_ =	sdelay $0x1  }
0xa1: {  	s23 =	simm.s32 $0x1B8B  }
0xa2: {  	_ =	swait.ge [sflag:s23], $0x1  }
0xa3: {  	[sflag:s23] =	ssyncset.done $0x0  }
0xa4: {  	s25 =	simm.s32 $0x1B8E;
	s24 =	sld [smem:$0x3FFE];
	[sflag:s23] =	ssyncadd.s32 $0xFFFFFFFF  }
0xa5: {  	s26 =	simm.s32 $execute0_lowered;
	[smem:$0x3FD2] =	sst s25  }
0xa6: {  	s4 =	sshll.u32 s26, $0x1;
	_ =	strace $0x80000046;
	[dreg:$0x1] =	wrdreg $0xFFFFFFFF  }
0xa7: {  	s28 =	simm.s32 $_size_execute0_lowered;
	s2 =	sadd.s32 s2, s4;
	[dreg:$0x0] =	wrdreg $0x0  }
0xa8: {  	s4 =	sshll.u32 s28, $0x1;
	[dreg:$0x2] =	wrdreg s2  }
0xa9: {  	[dreg:$0x3] =	wrdreg s4  }
0xaa: {  	[dreg:$0x4] =	wrdreg $0xC0  }
0xab: {  	_ =	task [dreg:s6], $0x5FFFF  }
0xac: {  	[dreg:$0x1] =	wrdreg $0xFFFFFFFF  }
0xad: {  	[dreg:$0x0] =	wrdreg $0x60  }
0xae: {  	[dreg:$0x2] =	wrdreg s24  }
0xaf: {  	[dreg:$0x3] =	wrdreg $0x9  }
0xb0: {  	_ =	task.clear_ibuf [dreg:s6], $0x4FFFF;
	_ =	strace $0x90000046  }
0xb1: {  	s29 =	simm.s32 $0x9;
	_ =	strace $0x80000048  }
0xb2: {  	_ =	swait.ge [sflag:s29], $0x1  }
0xb3: {  	[sflag:s29] =	ssyncadd.s32 $0xFFFFFFFF  }
0xb4: {  	_ =	strace $0x90000048  }
0xb5: {  	_ =	sfence  }
0xb6: {  	s30 =	sld [smem:$0x0];
	_ =	sdelay $0x2  }
0xb7: {  	s31 =	sshll.u32 s1, $0xD;
	s1 =	sshrl.u32 s1, $0x2  }
0xb8: {  	s3 =	sand.u32 $0x4000, s31;
	s1 =	sadd.s32 s1, s30  }
0xb9: {  	s0 =	sor.u32 s3, s0;
	s1 =	sshll.u32 s1, $0x11  }
0xba: {  	s0 =	sor.u32 s1, s0  }
0xbb: {  	s0 =	sadd.s32 $0x8F2B, s0  }
0xbc: {  	[sflag:s0] =	ssyncadd.remote.s32 $0x1  }
0xbd: {  	_ =	sfence.sel $0xFFFF  }
0xbe: {  	[dreg:$0x0] =	wrdreg $0xFFFFFFFF;
	(pc) =	sbr.abs _section_cstart, $3  }
0xbf: {  	[dreg:$0x1] =	wrdreg $0xFFFFFFFF  }
0xc0: {  	_ =	task.clear_ibuf [dreg:s6], $0x2FFFF;
	_ =	strace $0x9FFFFFFF  }
0xc1: {  	(tm) =	ssettm $0x7FFFFFFF  }
tec
execute0_lowered:
.L_overlay_start_1:
0x0: {  	(tag) =	ssettag $0x1  }
0x1: {  	s1 =	srdreg.scid;
	s0 =	stileid.u32  }
0x2: {  	s1 =	sand.u32 $0x1, s1;
	s2 =	sshll.u32 s0, $0x1  }
0x3: {  	s2 =	sor.u32 s1, s2  }
0x4: {  	s3 =	rddreg [dreg:$0x0];
	s4 =	smul.u32 $0x380, s2;
	s2 =	simm.s32 $0x0  }
0x5: {  	s9 =	simm.s32 $0x1C80;
	[smem:$0x7FF] =	sst s2  }
0x6: {  	s10 =	simm.s32 $0x100;
	_ =	strace $0x80000047;
	[dreg:$0x4] =	wrdreg s9  }
0x7: {  	s11 =	simm.s32 $0x1D00;
	[dreg:$0x5] =	wrdreg s10  }
0x8: {  	s12 =	simm.s32 $0x180;
	[dreg:$0x6] =	wrdreg s11  }
0x9: {  	s13 =	simm.s32 $0x1D80;
	[dreg:$0x7] =	wrdreg s12  }
0xa: {  	s14 =	simm.s32 $0x200;
	[dreg:$0x8] =	wrdreg s13  }
0xb: {  	s15 =	simm.s32 $0x1E00;
	[dreg:$0x9] =	wrdreg s14  }
0xc: {  	s16 =	simm.s32 $0x280;
	[dreg:$0xa] =	wrdreg s15  }
0xd: {  	s17 =	simm.s32 $0x1E80;
	[dreg:$0xb] =	wrdreg s16  }
0xe: {  	s18 =	simm.s32 $0x300;
	[dreg:$0xc] =	wrdreg s17  }
0xf: {  	s19 =	simm.s32 $0x1F00;
	[dreg:$0xd] =	wrdreg s18  }
0x10: {  	s20 =	simm.s32 $0x380;
	[dreg:$0xe] =	wrdreg s19  }
0x11: {  	s21 =	simm.s32 $0x1F80;
	[dreg:$0xf] =	wrdreg s20  }
0x12: {  	s22 =	simm.s32 $0x400;
	[dreg:$0x10] =	wrdreg s21  }
0x13: {  	s23 =	simm.s32 $0x2000;
	[dreg:$0x11] =	wrdreg s22  }
0x14: {  	s24 =	simm.s32 $0x480;
	[dreg:$0x12] =	wrdreg s23  }
0x15: {  	s25 =	simm.s32 $0x2080;
	[dreg:$0x13] =	wrdreg s24  }
0x16: {  	s26 =	simm.s32 $0x500;
	[dreg:$0x14] =	wrdreg s25  }
0x17: {  	s0 =	simm.s32 $0x2100;
	[dreg:$0x15] =	wrdreg s26  }
0x18: {  	s6 =	simm.s32 $0x2180;
	[dreg:$0x16] =	wrdreg s0  }
0x19: {  	s7 =	simm.s32 $0x600;
	[dreg:$0x18] =	wrdreg s6  }
0x1a: {  	s8 =	simm.s32 $0x2200;
	[dreg:$0x19] =	wrdreg s7  }
0x1b: {  	[dreg:$0x1a] =	wrdreg s8;
	s9 =	simm.s32 $0x680  }
0x1c: {  	s10 =	simm.s32 $0x2280;
	[dreg:$0x1b] =	wrdreg s9  }
0x1d: {  	s11 =	simm.s32 $0x700;
	[dreg:$0x1c] =	wrdreg s10  }
0x1e: {  	s12 =	simm.s32 $0x2300;
	[dreg:$0x1d] =	wrdreg s11  }
0x1f: {  	s13 =	simm.s32 $0x780;
	[dreg:$0x1e] =	wrdreg s12  }
0x20: {  	s14 =	simm.s32 $0x2380;
	[dreg:$0x1f] =	wrdreg s13  }
0x21: {  	s15 =	simm.s32 $0x800;
	[smem:$0x7C4] =	sst s14  }
0x22: {  	s16 =	simm.s32 $0x2400;
	[smem:$0x7C5] =	sst s15  }
0x23: {  	s17 =	simm.s32 $0x880;
	[smem:$0x7C6] =	sst s16  }
0x24: {  	s18 =	simm.s32 $0x2480;
	[smem:$0x7C7] =	sst s17  }
0x25: {  	s19 =	simm.s32 $0x900;
	[smem:$0x7C8] =	sst s18  }
0x26: {  	s20 =	simm.s32 $0x2500;
	[smem:$0x7C9] =	sst s19  }
0x27: {  	s21 =	simm.s32 $0x980;
	[smem:$0x7CA] =	sst s20  }
0x28: {  	s22 =	simm.s32 $0x2580;
	[smem:$0x7CB] =	sst s21  }
0x29: {  	s23 =	simm.s32 $0xA00;
	[smem:$0x7CC] =	sst s22  }
0x2a: {  	s24 =	simm.s32 $0x2600;
	[smem:$0x7CD] =	sst s23  }
0x2b: {  	s25 =	simm.s32 $0xA80;
	[smem:$0x7CE] =	sst s24  }
0x2c: {  	s26 =	simm.s32 $0x2680;
	[smem:$0x7CF] =	sst s25  }
0x2d: {  	s0 =	simm.s32 $0xB00;
	[smem:$0x7D0] =	sst s26  }
0x2e: {  	s6 =	simm.s32 $0xB80;
	[smem:$0x7D1] =	sst s0  }
0x2f: {  	s7 =	simm.s32 $0x2780;
	[smem:$0x7D3] =	sst s6  }
0x30: {  	s4 =	sadd.s32 s4, s3;
	s8 =	simm.s32 $0xC00;
	[smem:$0x7D4] =	sst s7  }
0x31: {  	s5 =	sadd.s32 $0x186E600, s4;
	[smem:$0x7D5] =	sst s8  }
0x32: {  	s4 =	sadd.s32 $0x1875600, s4;
	[dreg:$0x2] =	wrdreg s5  }
0x33: {  	s9 =	simm.s32 $0x2800;
	[dreg:$0x3] =	wrdreg s4  }
0x34: {  	s10 =	simm.s32 $0xC80;
	[smem:$0x7D6] =	sst s9  }
0x35: {  	s11 =	simm.s32 $0x2880;
	[smem:$0x7D7] =	sst s10  }
0x36: {  	s12 =	simm.s32 $0xD00;
	[smem:$0x7D8] =	sst s11  }
0x37: {  	s13 =	simm.s32 $0x2900;
	[smem:$0x7D9] =	sst s12  }
0x38: {  	s14 =	simm.s32 $0xD80;
	[smem:$0x7DA] =	sst s13  }
0x39: {  	s15 =	simm.s32 $0x2980;
	[smem:$0x7DB] =	sst s14  }
0x3a: {  	s16 =	simm.s32 $0xE00;
	[smem:$0x7DC] =	sst s15  }
0x3b: {  	s17 =	simm.s32 $0x2A00;
	[smem:$0x7DD] =	sst s16  }
0x3c: {  	s18 =	simm.s32 $0xE80;
	[smem:$0x7DE] =	sst s17  }
0x3d: {  	s19 =	simm.s32 $0x2A80;
	[smem:$0x7DF] =	sst s18  }
0x3e: {  	s20 =	simm.s32 $0xF00;
	[smem:$0x7E0] =	sst s19  }
0x3f: {  	s21 =	simm.s32 $0x2B00;
	[smem:$0x7E1] =	sst s20  }
0x40: {  	s22 =	simm.s32 $0xF80;
	[smem:$0x7E2] =	sst s21  }
0x41: {  	s23 =	simm.s32 $0x2B80;
	[smem:$0x7E3] =	sst s22  }
0x42: {  	s24 =	simm.s32 $0x1000;
	[smem:$0x7E4] =	sst s23  }
0x43: {  	s25 =	simm.s32 $0x2C00;
	[smem:$0x7E5] =	sst s24  }
0x44: {  	s26 =	simm.s32 $0x1080;
	[smem:$0x7E6] =	sst s25  }
0x45: {  	s0 =	simm.s32 $0x2C80;
	[smem:$0x7E7] =	sst s26  }
0x46: {  	s6 =	simm.s32 $0x2D00;
	[smem:$0x7E8] =	sst s0  }
0x47: {  	s7 =	simm.s32 $0x1180;
	[smem:$0x7EA] =	sst s6  }
0x48: {  	s8 =	simm.s32 $0x2D80;
	[smem:$0x7EB] =	sst s7  }
0x49: {  	s5 =	simm.s32 $0x580;
	[smem:$0x7EC] =	sst s8  }
0x4a: {  	s9 =	simm.s32 $0x1200;
	[dreg:$0x17] =	wrdreg s5  }
0x4b: {  	s10 =	simm.s32 $0x2E00;
	[smem:$0x7ED] =	sst s9  }
0x4c: {  	s11 =	simm.s32 $0x1280;
	[smem:$0x7EE] =	sst s10  }
0x4d: {  	s12 =	simm.s32 $0x2E80;
	[smem:$0x7EF] =	sst s11  }
0x4e: {  	s13 =	simm.s32 $0x1300;
	[smem:$0x7F0] =	sst s12  }
0x4f: {  	s14 =	simm.s32 $0x2F00;
	[smem:$0x7F1] =	sst s13  }
0x50: {  	s15 =	simm.s32 $0x1380;
	[smem:$0x7F2] =	sst s14  }
0x51: {  	s28 =	simm.s32 $0x1B00;
	s16 =	simm.s32 $0x2F80;
	[smem:$0x7F3] =	sst s15  }
0x52: {  	s29 =	simm.s32 $0x3700;
	s17 =	simm.s32 $0x1400;
	[smem:$0x7F4] =	sst s16  }
0x53: {  	s30 =	simm.s32 $0x1B80;
	s18 =	simm.s32 $0x3000;
	[smem:$0x7F5] =	sst s17  }
0x54: {  	s31 =	simm.s32 $0x3780;
	s19 =	simm.s32 $0x1480;
	[smem:$0x7F6] =	sst s18  }
0x55: {  	s1 =	ssub.s32 $0x2, s1;
	s20 =	simm.s32 $0x3080;
	[smem:$0x7F7] =	sst s19  }
0x56: {  	s3 =	sadd.s32 $0xC39600, s3;
	s21 =	simm.s32 $0x1500;
	[smem:$0x7F8] =	sst s20  }
0x57: {  	s22 =	sshrl.u32 s1, $0x1;
	s23 =	simm.s32 $0x3100;
	[smem:$0x7F9] =	sst s21  }
0x58: {  	s24 =	simm.s32 $0x1580;
	s25 =	simm.s32 $0x3180;
	[smem:$0x7FA] =	sst s23  }
0x59: {  	s26 =	simm.s32 $0x1600;
	s6 =	simm.s32 $0x80;
	[smem:$0x7FB] =	sst s24  }
0x5a: {  	s7 =	simm.s32 $0x1C00;
	s5 =	simm.s32 $0x2700;
	[smem:$0x7FC] =	sst s25  }
0x5b: {  	s1 =	ssub.s32 s1, s22;
	[smem:$0x7FD] =	sst s26;
	s11 =	simm.s32 $0x1700  }
0x5c: {  	s12 =	simm.s32 $0x3300;
	s13 =	simm.s32 $0x1780;
	s14 =	simm.s32 $0x3380  }
0x5d: {  	s15 =	simm.s32 $0x1800;
	s16 =	simm.s32 $0x3400;
	s17 =	simm.s32 $0x1880  }
0x5e: {  	s18 =	simm.s32 $0x3480;
	s19 =	simm.s32 $0x1900;
	s20 =	simm.s32 $0x3500  }
0x5f: {  	s21 =	simm.s32 $0x1980;
	s22 =	simm.s32 $0x3580;
	s23 =	simm.s32 $0x1A00  }
0x60: {  	s24 =	simm.s32 $0x3600;
	s25 =	simm.s32 $0x1A80;
	s26 =	simm.s32 $0x3680  }
0x61: {  	[smem:$0x7D2] =	sst s5;
	s5 =	simm.s32 $0x1100;
	s4 =	smax.u32 s1, $0x1  }
0x62: {  	s1 =	simm.s32 $0x1;
	[smem:$0x7E9] =	sst s5;
	s5 =	simm.s32 $0x2  }
.LBB2_1:
0x63: {  	s0 =	rddreg [dreg:$0x2]  }
0x64: {  	[tilespmem:s2], [sflag:$0x2] =	stream.linear.gather [hbm4b:s0+s2], $0x1C00, $0x38;
	[tilespmem:$0x3800] =	vst v63  }
0x65: {  	_ =	swait.ge [sflag:s5], $0x1C00  }
0x66: {  	s10 =	rddreg [dreg:$0x4]  }
0x67: {  	[sflag:s5] =	ssyncset.done $0x0;
	s0 =	rddreg [dreg:$0x5]  }
0x68: {  	s8 =	rddreg [dreg:$0x6];
	[sflag:s5] =	ssyncadd.s32 $0xFFFFE400  }
0x69: {  	[tilespmem:s7], [sflag:$0x1] =	stream.indirect.gather [hbm4b:s3+s6], $0x1, s2, s6, $0xb8;
	[tilespmem:$0x3800] =	vst v63  }
0x6a: {  	s9 =	rddreg [dreg:$0x7]  }
0x6b: {  	[tilespmem:s10], [sflag:$0x1] =	stream.indirect.gather [hbm4b:s3+s6], $0x1, s6, s6, $0xb8;
	[tilespmem:$0x3800] =	vst v63  }
0x6c: {  	s10 =	rddreg [dreg:$0x8]  }
0x6d: {  	[tilespmem:s8], [sflag:$0x1] =	stream.indirect.gather [hbm4b:s3+s6], $0x1, s0, s6, $0xb8;
	[tilespmem:$0x3800] =	vst v63  }
0x6e: {  	s0 =	rddreg [dreg:$0x9]  }
0x6f: {  	s8 =	rddreg [dreg:$0xa]  }
0x70: {  	[tilespmem:s10], [sflag:$0x1] =	stream.indirect.gather [hbm4b:s3+s6], $0x1, s9, s6, $0xb8;
	[tilespmem:$0x3800] =	vst v63  }
0x71: {  	s9 =	rddreg [dreg:$0xb]  }
0x72: {  	s10 =	rddreg [dreg:$0xc]  }
0x73: {  	[tilespmem:s8], [sflag:$0x1] =	stream.indirect.gather [hbm4b:s3+s6], $0x1, s0, s6, $0xb8;
	[tilespmem:$0x3800] =	vst v63  }
0x74: {  	s0 =	rddreg [dreg:$0xd]  }
0x75: {  	s8 =	rddreg [dreg:$0xe]  }
0x76: {  	[tilespmem:s10], [sflag:$0x1] =	stream.indirect.gather [hbm4b:s3+s6], $0x1, s9, s6, $0xb8;
	[tilespmem:$0x3800] =	vst v63  }
0x77: {  	s9 =	rddreg [dreg:$0xf]  }
0x78: {  	s10 =	rddreg [dreg:$0x10]  }
0x79: {  	[tilespmem:s8], [sflag:$0x1] =	stream.indirect.gather [hbm4b:s3+s6], $0x1, s0, s6, $0xb8;
	[tilespmem:$0x3800] =	vst v63  }
0x7a: {  	s0 =	rddreg [dreg:$0x11]  }
0x7b: {  	s8 =	rddreg [dreg:$0x12]  }
0x7c: {  	[tilespmem:s10], [sflag:$0x1] =	stream.indirect.gather [hbm4b:s3+s6], $0x1, s9, s6, $0xb8;
	[tilespmem:$0x3800] =	vst v63  }
0x7d: {  	s9 =	rddreg [dreg:$0x13]  }
0x7e: {  	s10 =	rddreg [dreg:$0x14]  }
0x7f: {  	[tilespmem:s8], [sflag:$0x1] =	stream.indirect.gather [hbm4b:s3+s6], $0x1, s0, s6, $0xb8;
	[tilespmem:$0x3800] =	vst v63  }
0x80: {  	s0 =	rddreg [dreg:$0x15]  }
0x81: {  	s8 =	rddreg [dreg:$0x16]  }
0x82: {  	[tilespmem:s10], [sflag:$0x1] =	stream.indirect.gather [hbm4b:s3+s6], $0x1, s9, s6, $0xb8;
	[tilespmem:$0x3800] =	vst v63  }
0x83: {  	s9 =	rddreg [dreg:$0x17]  }
0x84: {  	s10 =	rddreg [dreg:$0x18]  }
0x85: {  	[tilespmem:s8], [sflag:$0x1] =	stream.indirect.gather [hbm4b:s3+s6], $0x1, s0, s6, $0xb8;
	[tilespmem:$0x3800] =	vst v63  }
0x86: {  	s0 =	rddreg [dreg:$0x19]  }
0x87: {  	s8 =	rddreg [dreg:$0x1a]  }
0x88: {  	[tilespmem:s10], [sflag:$0x1] =	stream.indirect.gather [hbm4b:s3+s6], $0x1, s9, s6, $0xb8;
	[tilespmem:$0x3800] =	vst v63  }
0x89: {  	s9 =	rddreg [dreg:$0x1b]  }
0x8a: {  	s10 =	rddreg [dreg:$0x1c]  }
0x8b: {  	[tilespmem:s8], [sflag:$0x1] =	stream.indirect.gather [hbm4b:s3+s6], $0x1, s0, s6, $0xb8;
	[tilespmem:$0x3800] =	vst v63  }
0x8c: {  	s0 =	rddreg [dreg:$0x1d]  }
0x8d: {  	s8 =	rddreg [dreg:$0x1e]  }
0x8e: {  	[tilespmem:s10], [sflag:$0x1] =	stream.indirect.gather [hbm4b:s3+s6], $0x1, s9, s6, $0xb8;
	[tilespmem:$0x3800] =	vst v63  }
0x8f: {  	s9 =	rddreg [dreg:$0x1f]  }
0x90: {  	s10 =	sld [smem:$0x7C4]  }
0x91: {  	[tilespmem:s8], [sflag:$0x1] =	stream.indirect.gather [hbm4b:s3+s6], $0x1, s0, s6, $0xb8;
	[tilespmem:$0x3800] =	vst v63  }
0x92: {  	s0 =	sld [smem:$0x7C5]  }
0x93: {  	s8 =	sld [smem:$0x7C6]  }
0x94: {  	[tilespmem:s10], [sflag:$0x1] =	stream.indirect.gather [hbm4b:s3+s6], $0x1, s9, s6, $0xb8;
	[tilespmem:$0x3800] =	vst v63  }
0x95: {  	s9 =	sld [smem:$0x7C7]  }
0x96: {  	s10 =	sld [smem:$0x7C8]  }
0x97: {  	[tilespmem:s8], [sflag:$0x1] =	stream.indirect.gather [hbm4b:s3+s6], $0x1, s0, s6, $0xb8;
	[tilespmem:$0x3800] =	vst v63  }
0x98: {  	s0 =	sld [smem:$0x7C9]  }
0x99: {  	s8 =	sld [smem:$0x7CA]  }
0x9a: {  	[tilespmem:s10], [sflag:$0x1] =	stream.indirect.gather [hbm4b:s3+s6], $0x1, s9, s6, $0xb8;
	[tilespmem:$0x3800] =	vst v63  }
0x9b: {  	s9 =	sld [smem:$0x7CB]  }
0x9c: {  	s10 =	sld [smem:$0x7CC]  }
0x9d: {  	[tilespmem:s8], [sflag:$0x1] =	stream.indirect.gather [hbm4b:s3+s6], $0x1, s0, s6, $0xb8;
	[tilespmem:$0x3800] =	vst v63  }
0x9e: {  	s0 =	sld [smem:$0x7CD]  }
0x9f: {  	s8 =	sld [smem:$0x7CE]  }
0xa0: {  	[tilespmem:s10], [sflag:$0x1] =	stream.indirect.gather [hbm4b:s3+s6], $0x1, s9, s6, $0xb8;
	[tilespmem:$0x3800] =	vst v63  }
0xa1: {  	s9 =	sld [smem:$0x7CF]  }
0xa2: {  	s10 =	sld [smem:$0x7D0]  }
0xa3: {  	[tilespmem:s8], [sflag:$0x1] =	stream.indirect.gather [hbm4b:s3+s6], $0x1, s0, s6, $0xb8;
	[tilespmem:$0x3800] =	vst v63  }
0xa4: {  	s0 =	sld [smem:$0x7D1]  }
0xa5: {  	s8 =	sld [smem:$0x7D2]  }
0xa6: {  	[tilespmem:s10], [sflag:$0x1] =	stream.indirect.gather [hbm4b:s3+s6], $0x1, s9, s6, $0xb8;
	[tilespmem:$0x3800] =	vst v63  }
0xa7: {  	s9 =	sld [smem:$0x7D3]  }
0xa8: {  	s10 =	sld [smem:$0x7D4]  }
0xa9: {  	[tilespmem:s8], [sflag:$0x1] =	stream.indirect.gather [hbm4b:s3+s6], $0x1, s0, s6, $0xb8;
	[tilespmem:$0x3800] =	vst v63  }
0xaa: {  	s0 =	sld [smem:$0x7D5]  }
0xab: {  	s8 =	sld [smem:$0x7D6]  }
0xac: {  	[tilespmem:s10], [sflag:$0x1] =	stream.indirect.gather [hbm4b:s3+s6], $0x1, s9, s6, $0xb8;
	[tilespmem:$0x3800] =	vst v63  }
0xad: {  	s9 =	sld [smem:$0x7D7]  }
0xae: {  	s10 =	sld [smem:$0x7D8]  }
0xaf: {  	[tilespmem:s8], [sflag:$0x1] =	stream.indirect.gather [hbm4b:s3+s6], $0x1, s0, s6, $0xb8;
	[tilespmem:$0x3800] =	vst v63  }
0xb0: {  	s0 =	sld [smem:$0x7D9]  }
0xb1: {  	s8 =	sld [smem:$0x7DA]  }
0xb2: {  	[tilespmem:s10], [sflag:$0x1] =	stream.indirect.gather [hbm4b:s3+s6], $0x1, s9, s6, $0xb8;
	[tilespmem:$0x3800] =	vst v63  }
0xb3: {  	s9 =	sld [smem:$0x7DB]  }
0xb4: {  	s10 =	sld [smem:$0x7DC]  }
0xb5: {  	[tilespmem:s8], [sflag:$0x1] =	stream.indirect.gather [hbm4b:s3+s6], $0x1, s0, s6, $0xb8;
	[tilespmem:$0x3800] =	vst v63  }
0xb6: {  	s0 =	sld [smem:$0x7DD]  }
0xb7: {  	s8 =	sld [smem:$0x7DE]  }
0xb8: {  	[tilespmem:s10], [sflag:$0x1] =	stream.indirect.gather [hbm4b:s3+s6], $0x1, s9, s6, $0xb8;
	[tilespmem:$0x3800] =	vst v63  }
0xb9: {  	s9 =	sld [smem:$0x7DF]  }
0xba: {  	s10 =	sld [smem:$0x7E0]  }
0xbb: {  	[tilespmem:s8], [sflag:$0x1] =	stream.indirect.gather [hbm4b:s3+s6], $0x1, s0, s6, $0xb8;
	[tilespmem:$0x3800] =	vst v63  }
0xbc: {  	s0 =	sld [smem:$0x7E1]  }
0xbd: {  	s8 =	sld [smem:$0x7E2]  }
0xbe: {  	[tilespmem:s10], [sflag:$0x1] =	stream.indirect.gather [hbm4b:s3+s6], $0x1, s9, s6, $0xb8;
	[tilespmem:$0x3800] =	vst v63  }
0xbf: {  	s9 =	sld [smem:$0x7E3]  }
0xc0: {  	s10 =	sld [smem:$0x7E4]  }
0xc1: {  	[tilespmem:s8], [sflag:$0x1] =	stream.indirect.gather [hbm4b:s3+s6], $0x1, s0, s6, $0xb8;
	[tilespmem:$0x3800] =	vst v63  }
0xc2: {  	s0 =	sld [smem:$0x7E5]  }
0xc3: {  	s8 =	sld [smem:$0x7E6]  }
0xc4: {  	[tilespmem:s10], [sflag:$0x1] =	stream.indirect.gather [hbm4b:s3+s6], $0x1, s9, s6, $0xb8;
	[tilespmem:$0x3800] =	vst v63  }
0xc5: {  	s9 =	sld [smem:$0x7E7]  }
0xc6: {  	s10 =	sld [smem:$0x7E8]  }
0xc7: {  	[tilespmem:s8], [sflag:$0x1] =	stream.indirect.gather [hbm4b:s3+s6], $0x1, s0, s6, $0xb8;
	[tilespmem:$0x3800] =	vst v63  }
0xc8: {  	s0 =	sld [smem:$0x7E9]  }
0xc9: {  	s8 =	sld [smem:$0x7EA]  }
0xca: {  	[tilespmem:s10], [sflag:$0x1] =	stream.indirect.gather [hbm4b:s3+s6], $0x1, s9, s6, $0xb8;
	[tilespmem:$0x3800] =	vst v63  }
0xcb: {  	s9 =	sld [smem:$0x7EB]  }
0xcc: {  	s10 =	sld [smem:$0x7EC]  }
0xcd: {  	[tilespmem:s8], [sflag:$0x1] =	stream.indirect.gather [hbm4b:s3+s6], $0x1, s0, s6, $0xb8;
	[tilespmem:$0x3800] =	vst v63  }
0xce: {  	s0 =	sld [smem:$0x7ED]  }
0xcf: {  	s8 =	sld [smem:$0x7EE]  }
0xd0: {  	[tilespmem:s10], [sflag:$0x1] =	stream.indirect.gather [hbm4b:s3+s6], $0x1, s9, s6, $0xb8;
	[tilespmem:$0x3800] =	vst v63  }
0xd1: {  	s9 =	sld [smem:$0x7EF]  }
0xd2: {  	s10 =	sld [smem:$0x7F0]  }
0xd3: {  	[tilespmem:s8], [sflag:$0x1] =	stream.indirect.gather [hbm4b:s3+s6], $0x1, s0, s6, $0xb8;
	[tilespmem:$0x3800] =	vst v63  }
0xd4: {  	s0 =	sld [smem:$0x7F1]  }
0xd5: {  	s8 =	sld [smem:$0x7F2]  }
0xd6: {  	[tilespmem:s10], [sflag:$0x1] =	stream.indirect.gather [hbm4b:s3+s6], $0x1, s9, s6, $0xb8;
	[tilespmem:$0x3800] =	vst v63  }
0xd7: {  	s9 =	sld [smem:$0x7F3]  }
0xd8: {  	s10 =	sld [smem:$0x7F4]  }
0xd9: {  	[tilespmem:s8], [sflag:$0x1] =	stream.indirect.gather [hbm4b:s3+s6], $0x1, s0, s6, $0xb8;
	[tilespmem:$0x3800] =	vst v63  }
0xda: {  	s0 =	sld [smem:$0x7F5]  }
0xdb: {  	s8 =	sld [smem:$0x7F6]  }
0xdc: {  	[tilespmem:s10], [sflag:$0x1] =	stream.indirect.gather [hbm4b:s3+s6], $0x1, s9, s6, $0xb8;
	[tilespmem:$0x3800] =	vst v63  }
0xdd: {  	s9 =	sld [smem:$0x7F7]  }
0xde: {  	s10 =	sld [smem:$0x7F8]  }
0xdf: {  	[tilespmem:s8], [sflag:$0x1] =	stream.indirect.gather [hbm4b:s3+s6], $0x1, s0, s6, $0xb8;
	[tilespmem:$0x3800] =	vst v63  }
0xe0: {  	s0 =	sld [smem:$0x7F9]  }
0xe1: {  	s8 =	sld [smem:$0x7FA]  }
0xe2: {  	[tilespmem:s10], [sflag:$0x1] =	stream.indirect.gather [hbm4b:s3+s6], $0x1, s9, s6, $0xb8;
	[tilespmem:$0x3800] =	vst v63  }
0xe3: {  	s9 =	sld [smem:$0x7FB]  }
0xe4: {  	s10 =	sld [smem:$0x7FC]  }
0xe5: {  	[tilespmem:s8], [sflag:$0x1] =	stream.indirect.gather [hbm4b:s3+s6], $0x1, s0, s6, $0xb8;
	[tilespmem:$0x3800] =	vst v63  }
0xe6: {  	s8 =	sld [smem:$0x7FD]  }
0xe7: {  	[tilespmem:s10], [sflag:$0x1] =	stream.indirect.gather [hbm4b:s3+s6], $0x1, s9, s6, $0xb8;
	[tilespmem:$0x3800] =	vst v63  }
0xe8: {  	s10 =	simm.s32 $0x3200  }
0xe9: {  	[tilespmem:s10], [sflag:$0x1] =	stream.indirect.gather [hbm4b:s3+s6], $0x1, s8, s6, $0xb8;
	[tilespmem:$0x3800] =	vst v63  }
0xea: {  	s9 =	simm.s32 $0x3280;
	s8 =	simm.s32 $0x1680  }
0xeb: {  	[tilespmem:s9], [sflag:$0x1] =	stream.indirect.gather [hbm4b:s3+s6], $0x1, s8, s6, $0xb8;
	[tilespmem:$0x3800] =	vst v63  }
0xec: {  	_ = 	snop  }
0xed: {  	[tilespmem:s12], [sflag:$0x1] =	stream.indirect.gather [hbm4b:s3+s6], $0x1, s11, s6, $0xb8;
	[tilespmem:$0x3800] =	vst v63  }
0xee: {  	_ = 	snop  }
0xef: {  	[tilespmem:s14], [sflag:$0x1] =	stream.indirect.gather [hbm4b:s3+s6], $0x1, s13, s6, $0xb8;
	[tilespmem:$0x3800] =	vst v63  }
0xf0: {  	_ = 	snop  }
0xf1: {  	[tilespmem:s16], [sflag:$0x1] =	stream.indirect.gather [hbm4b:s3+s6], $0x1, s15, s6, $0xb8;
	[tilespmem:$0x3800] =	vst v63  }
0xf2: {  	_ = 	snop  }
0xf3: {  	[tilespmem:s18], [sflag:$0x1] =	stream.indirect.gather [hbm4b:s3+s6], $0x1, s17, s6, $0xb8;
	[tilespmem:$0x3800] =	vst v63  }
0xf4: {  	_ = 	snop  }
0xf5: {  	[tilespmem:s20], [sflag:$0x1] =	stream.indirect.gather [hbm4b:s3+s6], $0x1, s19, s6, $0xb8;
	[tilespmem:$0x3800] =	vst v63  }
0xf6: {  	_ = 	snop  }
0xf7: {  	[tilespmem:s22], [sflag:$0x1] =	stream.indirect.gather [hbm4b:s3+s6], $0x1, s21, s6, $0xb8;
	[tilespmem:$0x3800] =	vst v63  }
0xf8: {  	_ = 	snop  }
0xf9: {  	[tilespmem:s24], [sflag:$0x1] =	stream.indirect.gather [hbm4b:s3+s6], $0x1, s23, s6, $0xb8;
	[tilespmem:$0x3800] =	vst v63  }
0xfa: {  	_ = 	snop  }
0xfb: {  	[tilespmem:s26], [sflag:$0x1] =	stream.indirect.gather [hbm4b:s3+s6], $0x1, s25, s6, $0xb8;
	[tilespmem:$0x3800] =	vst v63  }
0xfc: {  	_ = 	snop  }
0xfd: {  	[tilespmem:s29], [sflag:$0x1] =	stream.indirect.gather [hbm4b:s3+s6], $0x1, s28, s6, $0xb8;
	[tilespmem:$0x3800] =	vst v63  }
0xfe: {  	_ = 	snop  }
0xff: {  	[tilespmem:s31], [sflag:$0x1] =	stream.indirect.gather [hbm4b:s3+s6], $0x1, s30, s6, $0xb8;
	[tilespmem:$0x3800] =	vst v63  }
0x100: {  	_ =	swait.ge [sflag:s1], $0x80  }
0x101: {  	[sflag:s1] =	ssyncset.done $0x0  }
0x102: {  	[sflag:s1] =	ssyncadd.s32 $0xFFFFFF80  }
0x103: {  	_ =	swait.ge [sflag:s1], $0x80  }
0x104: {  	[sflag:s1] =	ssyncset.done $0x0  }
0x105: {  	[sflag:s1] =	ssyncadd.s32 $0xFFFFFF80  }
0x106: {  	_ =	swait.ge [sflag:s1], $0x80  }
0x107: {  	[sflag:s1] =	ssyncset.done $0x0  }
0x108: {  	[sflag:s1] =	ssyncadd.s32 $0xFFFFFF80  }
0x109: {  	_ =	swait.ge [sflag:s1], $0x80  }
0x10a: {  	[sflag:s1] =	ssyncset.done $0x0  }
0x10b: {  	[sflag:s1] =	ssyncadd.s32 $0xFFFFFF80  }
0x10c: {  	_ =	swait.ge [sflag:s1], $0x80  }
0x10d: {  	[sflag:s1] =	ssyncset.done $0x0  }
0x10e: {  	[sflag:s1] =	ssyncadd.s32 $0xFFFFFF80  }
0x10f: {  	_ =	swait.ge [sflag:s1], $0x80  }
0x110: {  	[sflag:s1] =	ssyncset.done $0x0  }
0x111: {  	[sflag:s1] =	ssyncadd.s32 $0xFFFFFF80  }
0x112: {  	_ =	swait.ge [sflag:s1], $0x80  }
0x113: {  	[sflag:s1] =	ssyncset.done $0x0  }
0x114: {  	[sflag:s1] =	ssyncadd.s32 $0xFFFFFF80  }
0x115: {  	_ =	swait.ge [sflag:s1], $0x80  }
0x116: {  	[sflag:s1] =	ssyncset.done $0x0  }
0x117: {  	[sflag:s1] =	ssyncadd.s32 $0xFFFFFF80  }
0x118: {  	_ =	swait.ge [sflag:s1], $0x80  }
0x119: {  	[sflag:s1] =	ssyncset.done $0x0  }
0x11a: {  	[sflag:s1] =	ssyncadd.s32 $0xFFFFFF80  }
0x11b: {  	_ =	swait.ge [sflag:s1], $0x80  }
0x11c: {  	[sflag:s1] =	ssyncset.done $0x0  }
0x11d: {  	[sflag:s1] =	ssyncadd.s32 $0xFFFFFF80  }
0x11e: {  	_ =	swait.ge [sflag:s1], $0x80  }
0x11f: {  	[sflag:s1] =	ssyncset.done $0x0  }
0x120: {  	[sflag:s1] =	ssyncadd.s32 $0xFFFFFF80  }
0x121: {  	_ =	swait.ge [sflag:s1], $0x80  }
0x122: {  	[sflag:s1] =	ssyncset.done $0x0  }
0x123: {  	[sflag:s1] =	ssyncadd.s32 $0xFFFFFF80  }
0x124: {  	_ =	swait.ge [sflag:s1], $0x80  }
0x125: {  	[sflag:s1] =	ssyncset.done $0x0  }
0x126: {  	[sflag:s1] =	ssyncadd.s32 $0xFFFFFF80  }
0x127: {  	_ =	swait.ge [sflag:s1], $0x80  }
0x128: {  	[sflag:s1] =	ssyncset.done $0x0  }
0x129: {  	[sflag:s1] =	ssyncadd.s32 $0xFFFFFF80  }
0x12a: {  	_ =	swait.ge [sflag:s1], $0x80  }
0x12b: {  	[sflag:s1] =	ssyncset.done $0x0  }
0x12c: {  	[sflag:s1] =	ssyncadd.s32 $0xFFFFFF80  }
0x12d: {  	_ =	swait.ge [sflag:s1], $0x80  }
0x12e: {  	[sflag:s1] =	ssyncset.done $0x0  }
0x12f: {  	[sflag:s1] =	ssyncadd.s32 $0xFFFFFF80  }
0x130: {  	_ =	swait.ge [sflag:s1], $0x80  }
0x131: {  	[sflag:s1] =	ssyncset.done $0x0  }
0x132: {  	[sflag:s1] =	ssyncadd.s32 $0xFFFFFF80  }
0x133: {  	_ =	swait.ge [sflag:s1], $0x80  }
0x134: {  	[sflag:s1] =	ssyncset.done $0x0  }
0x135: {  	[sflag:s1] =	ssyncadd.s32 $0xFFFFFF80  }
0x136: {  	_ =	swait.ge [sflag:s1], $0x80  }
0x137: {  	[sflag:s1] =	ssyncset.done $0x0  }
0x138: {  	[sflag:s1] =	ssyncadd.s32 $0xFFFFFF80  }
0x139: {  	_ =	swait.ge [sflag:s1], $0x80  }
0x13a: {  	[sflag:s1] =	ssyncset.done $0x0  }
0x13b: {  	[sflag:s1] =	ssyncadd.s32 $0xFFFFFF80  }
0x13c: {  	_ =	swait.ge [sflag:s1], $0x80  }
0x13d: {  	[sflag:s1] =	ssyncset.done $0x0  }
0x13e: {  	[sflag:s1] =	ssyncadd.s32 $0xFFFFFF80  }
0x13f: {  	_ =	swait.ge [sflag:s1], $0x80  }
0x140: {  	[sflag:s1] =	ssyncset.done $0x0  }
0x141: {  	[sflag:s1] =	ssyncadd.s32 $0xFFFFFF80  }
0x142: {  	_ =	swait.ge [sflag:s1], $0x80  }
0x143: {  	[sflag:s1] =	ssyncset.done $0x0  }
0x144: {  	[sflag:s1] =	ssyncadd.s32 $0xFFFFFF80  }
0x145: {  	_ =	swait.ge [sflag:s1], $0x80  }
0x146: {  	[sflag:s1] =	ssyncset.done $0x0  }
0x147: {  	[sflag:s1] =	ssyncadd.s32 $0xFFFFFF80  }
0x148: {  	_ =	swait.ge [sflag:s1], $0x80  }
0x149: {  	[sflag:s1] =	ssyncset.done $0x0  }
0x14a: {  	[sflag:s1] =	ssyncadd.s32 $0xFFFFFF80  }
0x14b: {  	_ =	swait.ge [sflag:s1], $0x80  }
0x14c: {  	[sflag:s1] =	ssyncset.done $0x0  }
0x14d: {  	[sflag:s1] =	ssyncadd.s32 $0xFFFFFF80  }
0x14e: {  	_ =	swait.ge [sflag:s1], $0x80  }
0x14f: {  	[sflag:s1] =	ssyncset.done $0x0  }
0x150: {  	[sflag:s1] =	ssyncadd.s32 $0xFFFFFF80  }
0x151: {  	_ =	swait.ge [sflag:s1], $0x80  }
0x152: {  	[sflag:s1] =	ssyncset.done $0x0  }
0x153: {  	[sflag:s1] =	ssyncadd.s32 $0xFFFFFF80  }
0x154: {  	_ =	swait.ge [sflag:s1], $0x80  }
0x155: {  	[sflag:s1] =	ssyncset.done $0x0  }
0x156: {  	[sflag:s1] =	ssyncadd.s32 $0xFFFFFF80  }
0x157: {  	_ =	swait.ge [sflag:s1], $0x80  }
0x158: {  	[sflag:s1] =	ssyncset.done $0x0  }
0x159: {  	[sflag:s1] =	ssyncadd.s32 $0xFFFFFF80  }
0x15a: {  	_ =	swait.ge [sflag:s1], $0x80  }
0x15b: {  	[sflag:s1] =	ssyncset.done $0x0  }
0x15c: {  	[sflag:s1] =	ssyncadd.s32 $0xFFFFFF80  }
0x15d: {  	_ =	swait.ge [sflag:s1], $0x80  }
0x15e: {  	[sflag:s1] =	ssyncset.done $0x0  }
0x15f: {  	[sflag:s1] =	ssyncadd.s32 $0xFFFFFF80  }
0x160: {  	_ =	swait.ge [sflag:s1], $0x80  }
0x161: {  	[sflag:s1] =	ssyncset.done $0x0  }
0x162: {  	[sflag:s1] =	ssyncadd.s32 $0xFFFFFF80  }
0x163: {  	_ =	swait.ge [sflag:s1], $0x80  }
0x164: {  	[sflag:s1] =	ssyncset.done $0x0  }
0x165: {  	[sflag:s1] =	ssyncadd.s32 $0xFFFFFF80  }
0x166: {  	_ =	swait.ge [sflag:s1], $0x80  }
0x167: {  	[sflag:s1] =	ssyncset.done $0x0  }
0x168: {  	[sflag:s1] =	ssyncadd.s32 $0xFFFFFF80  }
0x169: {  	_ =	swait.ge [sflag:s1], $0x80  }
0x16a: {  	[sflag:s1] =	ssyncset.done $0x0  }
0x16b: {  	[sflag:s1] =	ssyncadd.s32 $0xFFFFFF80  }
0x16c: {  	_ =	swait.ge [sflag:s1], $0x80  }
0x16d: {  	[sflag:s1] =	ssyncset.done $0x0  }
0x16e: {  	[sflag:s1] =	ssyncadd.s32 $0xFFFFFF80  }
0x16f: {  	_ =	swait.ge [sflag:s1], $0x80  }
0x170: {  	[sflag:s1] =	ssyncset.done $0x0  }
0x171: {  	[sflag:s1] =	ssyncadd.s32 $0xFFFFFF80  }
0x172: {  	_ =	swait.ge [sflag:s1], $0x80  }
0x173: {  	[sflag:s1] =	ssyncset.done $0x0  }
0x174: {  	[sflag:s1] =	ssyncadd.s32 $0xFFFFFF80  }
0x175: {  	_ =	swait.ge [sflag:s1], $0x80  }
0x176: {  	[sflag:s1] =	ssyncset.done $0x0  }
0x177: {  	[sflag:s1] =	ssyncadd.s32 $0xFFFFFF80  }
0x178: {  	_ =	swait.ge [sflag:s1], $0x80  }
0x179: {  	[sflag:s1] =	ssyncset.done $0x0  }
0x17a: {  	[sflag:s1] =	ssyncadd.s32 $0xFFFFFF80  }
0x17b: {  	_ =	swait.ge [sflag:s1], $0x80  }
0x17c: {  	[sflag:s1] =	ssyncset.done $0x0  }
0x17d: {  	[sflag:s1] =	ssyncadd.s32 $0xFFFFFF80  }
0x17e: {  	_ =	swait.ge [sflag:s1], $0x80  }
0x17f: {  	[sflag:s1] =	ssyncset.done $0x0  }
0x180: {  	[sflag:s1] =	ssyncadd.s32 $0xFFFFFF80  }
0x181: {  	_ =	swait.ge [sflag:s1], $0x80  }
0x182: {  	[sflag:s1] =	ssyncset.done $0x0  }
0x183: {  	[sflag:s1] =	ssyncadd.s32 $0xFFFFFF80  }
0x184: {  	_ =	swait.ge [sflag:s1], $0x80  }
0x185: {  	[sflag:s1] =	ssyncset.done $0x0  }
0x186: {  	[sflag:s1] =	ssyncadd.s32 $0xFFFFFF80  }
0x187: {  	_ =	swait.ge [sflag:s1], $0x80  }
0x188: {  	[sflag:s1] =	ssyncset.done $0x0  }
0x189: {  	[sflag:s1] =	ssyncadd.s32 $0xFFFFFF80  }
0x18a: {  	_ =	swait.ge [sflag:s1], $0x80  }
0x18b: {  	[sflag:s1] =	ssyncset.done $0x0  }
0x18c: {  	[sflag:s1] =	ssyncadd.s32 $0xFFFFFF80  }
0x18d: {  	_ =	swait.ge [sflag:s1], $0x80  }
0x18e: {  	[sflag:s1] =	ssyncset.done $0x0  }
0x18f: {  	[sflag:s1] =	ssyncadd.s32 $0xFFFFFF80  }
0x190: {  	_ =	swait.ge [sflag:s1], $0x80  }
0x191: {  	[sflag:s1] =	ssyncset.done $0x0  }
0x192: {  	[sflag:s1] =	ssyncadd.s32 $0xFFFFFF80  }
0x193: {  	_ =	swait.ge [sflag:s1], $0x80  }
0x194: {  	[sflag:s1] =	ssyncset.done $0x0  }
0x195: {  	[sflag:s1] =	ssyncadd.s32 $0xFFFFFF80  }
0x196: {  	_ =	swait.ge [sflag:s1], $0x80  }
0x197: {  	[sflag:s1] =	ssyncset.done $0x0  }
0x198: {  	[sflag:s1] =	ssyncadd.s32 $0xFFFFFF80  }
0x199: {  	_ =	swait.ge [sflag:s1], $0x80  }
0x19a: {  	[sflag:s1] =	ssyncset.done $0x0  }
0x19b: {  	[sflag:s1] =	ssyncadd.s32 $0xFFFFFF80  }
0x19c: {  	_ =	swait.ge [sflag:s1], $0x80  }
0x19d: {  	[sflag:s1] =	ssyncset.done $0x0  }
0x19e: {  	[sflag:s1] =	ssyncadd.s32 $0xFFFFFF80  }
0x19f: {  	_ =	swait.ge [sflag:s1], $0x80  }
0x1a0: {  	[sflag:s1] =	ssyncset.done $0x0  }
0x1a1: {  	[sflag:s1] =	ssyncadd.s32 $0xFFFFFF80  }
0x1a2: {  	_ =	swait.ge [sflag:s1], $0x80  }
0x1a3: {  	[sflag:s1] =	ssyncset.done $0x0  }
0x1a4: {  	[sflag:s1] =	ssyncadd.s32 $0xFFFFFF80  }
0x1a5: {  	_ =	swait.ge [sflag:s1], $0x80  }
0x1a6: {  	p0 =	sne.s32 s4, $0x1;
	[sflag:s1] =	ssyncset.done $0x0  }
.Ltmp0:
0x1a7: {  	s10 =	rddreg [dreg:$0x3];
	[sflag:s1] =	ssyncadd.s32 $0xFFFFFF80;
	(pc) =	sbr.rel @p0 .LBB2_1-.Ltmp0, $4  }
0x1a8: {  	[hbm4b:s10+s2] =	stream.linear.scatter [tilespmem:s7], [sflag:$0x2], $0x1C00, $0x38;
	[tilespmem:$0x3800] =	vst v63  }
0x1a9: {  	_ =	swait.ge [sflag:s5], $0x1C00  }
0x1aa: {  	[sflag:s5] =	ssyncset.done $0x0  }
0x1ab: {  	s4 =	sadd.s32 $0xFFFFFFFF, s4;
	[sflag:s5] =	ssyncadd.s32 $0xFFFFE400  }
0x1ac: {  	_ =	sfence.sel $0x180000  }
0x1ad: {  	[bflag:$0x0] =	sbarrier.arrive $0xFFFF  }
0x1ae: {  	_ =	strace $0x90000047  }
0x1af: {  	s0 =	stileid.u32;
	[bflag:$0x2] =	sbarrier.arrive $0xFFFF  }
0x1b0: {  	p0 =	sne.s32 s0, $0x0;
	s0 =	rddreg [dreg:$0x1]  }
0x1b1: {  	s0 =	sadd.s32 @!p0 $0x100000, s0  }
0x1b2: {  	[sflag:s0] =	ssyncadd.tile.s32 @!p0 $0x1;
	_ =	shalt  }
.Lfunc_end2:
_tile_overlayer_lowered:
.L_overlay_start_2:
0x1b3: {  	(tag) =	ssettag $0x2  }
0x1b4: {  	s0 =	rddreg [dreg:$0x0];
	s2 =	stileid.u32  }
0x1b5: {  	s1 =	rddreg [dreg:$0x1];
	p0 =	sne.s32 s2, $0x0  }
0x1b6: {  	s3 =	rddreg [dreg:$0x2];
	[bflag:$0x3] =	sbarrier.arrive $0xFFFF;
	s2 =	simm.s32 @!p0 $0x1C02  }
0x1b7: {  	[timem:s3], [sflag:s2] =	dma.local @!p0 [hbm:s0], s1  }
0x1b8: {  	s0 =	simm.s32 @!p0 $0x2  }
0x1b9: {  	_ =	swait.ge @!p0 [sflag:s0], s1  }
0x1ba: {  	s1 =	ssub.s32 @!p0 $0x0, s1;
	[sflag:s0] =	ssyncset.done @!p0 $0x0  }
0x1bb: {  	[sflag:s0] =	ssyncadd.s32 @!p0 s1  }
0x1bc: {  	[bflag:$0x3] =	sbarrier.arrive $0xFFFF  }
0x1bd: {  	_ =	shalt  }

</sc_bundles>
